<compile_context>
chip_gen: v7x
topology: tpu7x:2x2x1
jax: 0.10.2.dev20260603
libtpu: 0.0.44.dev20260713+nightly
codegen_flags: <defaults>
</compile_context>

<pallas_src>
import functools

import jax
import jax.numpy as jnp
from jax import lax
from jax.experimental import pallas as pl
from jax.experimental.pallas import tpu as pltpu
from jax.experimental.pallas import tpu_sc as plsc

_GRP = 4
_BLK = 16 * _GRP


def _round_bf16(v):
    u = lax.bitcast_convert_type(v, jnp.uint32)
    lsb = (u >> jnp.uint32(16)) & jnp.uint32(1)
    u = (u + jnp.uint32(32767) + lsb) & jnp.uint32(0xFFFF0000)
    return lax.bitcast_convert_type(u, jnp.float32)


def _make_sc_call(b, s, d, t):
    n = b * s
    info = plsc.get_sparse_core_info()
    nc, ns = info.num_cores, info.num_subcores
    nw = nc * ns
    tpw = n // nw
    spw = s // (nw // b)
    nblk = tpw // _BLK
    mesh = plsc.VectorSubcoreMesh(core_axis_name="c", subcore_axis_name="s")

    @functools.partial(
        pl.kernel, mesh=mesh,
        out_type=[jax.ShapeDtypeStruct((b, s), jnp.int32),
                  jax.ShapeDtypeStruct((b, s), jnp.int32)],
        scratch_types=[
            pltpu.VMEM((d, tpw), jnp.float32),
            pltpu.VMEM((tpw,), jnp.int32),
            pltpu.VMEM((d, 8 * 16), jnp.float32),
            pltpu.VMEM((16,), jnp.int32),
            pltpu.VMEM((tpw,), jnp.int32),
            pltpu.VMEM((tpw,), jnp.int32),
        ],
    )
    def sc_router(xt_hbm, pos_hbm, w_hbm, half_hbm, sel_hbm, tgt_hbm,
                  xv, posv, wv, halfv, selv, tgtv):
        wid = lax.axis_index("s") * nc + lax.axis_index("c")
        bi = wid // (nw // b)
        s0 = (wid % (nw // b)) * spw
        pltpu.sync_copy(xt_hbm.at[bi, :, pl.ds(s0, tpw)], xv)
        pltpu.sync_copy(pos_hbm.at[bi, pl.ds(s0, tpw)], posv)
        pltpu.sync_copy(w_hbm, wv)
        pltpu.sync_copy(half_hbm, halfv)
        halfvec = halfv[...]

        zero = jnp.zeros((16,), jnp.float32)

        def blk_body(blk, carry):
            base = blk * _BLK

            def c_body(c, accs):
                xcs = [
                    _round_bf16(xv[c, pl.ds(base + g * 16, 16)])
                    for g in range(_GRP)
                ]
                out = []
                for ti in range(t):
                    wtc = wv[c, pl.ds(ti * 16, 16)]
                    for g in range(_GRP):
                        out.append(accs[ti * _GRP + g] + xcs[g] * wtc)
                return out

            accs = lax.fori_loop(0, d, c_body, [zero] * (t * _GRP),
                                 unroll=4)

            for g in range(_GRP):
                best = accs[g]
                arg = jnp.zeros((16,), jnp.int32)
                for ti in range(1, t):
                    a = accs[ti * _GRP + g]
                    m = a > best
                    best = jnp.where(m, a, best)
                    arg = jnp.where(m, jnp.int32(ti), arg)
                off = base + g * 16
                selv[pl.ds(off, 16)] = arg
                pos = posv[pl.ds(off, 16)]
                x0 = xv[0, pl.ds(off, 16)]
                x1 = xv[1, pl.ds(off, 16)]
                tgtv[pl.ds(off, 16)] = (
                    jnp.where(pos >= halfvec, 4, 0)
                    + jnp.where(x0 > 0, 2, 0)
                    + jnp.where(x1 > 0, 1, 0)).astype(jnp.int32)
            return carry

        lax.fori_loop(0, nblk, blk_body, 0)
        pltpu.sync_copy(selv, sel_hbm.at[bi, pl.ds(s0, tpw)])
        pltpu.sync_copy(tgtv, tgt_hbm.at[bi, pl.ds(s0, tpw)])

    return sc_router


def kernel(x, positions, seq_len, content_sigs):
    b, s, d = x.shape
    t = content_sigs.shape[0]
    w = jnp.tanh(content_sigs)
    wu = lax.bitcast_convert_type(w, jnp.uint32)
    wu = (wu + jnp.uint32(32767) + ((wu >> jnp.uint32(16)) & jnp.uint32(1)))         & jnp.uint32(0xFFFF0000)
    wb = lax.bitcast_convert_type(wu, jnp.float32)
    wsp = jnp.broadcast_to(wb.T[:, :, None], (d, t, 16)).reshape(d, t * 16)
    half = ((jnp.asarray(seq_len) + 1) // 2).astype(jnp.int32)
    halfv = jnp.broadcast_to(half, (16,))
    pos = positions.astype(jnp.int32)
    xt = jnp.transpose(x, (0, 2, 1))
    sel, tgt = _make_sc_call(b, s, d, t)(xt, pos, wsp, halfv)
    return sel, tgt

# --- scband reference (transcript-rebuilt; emitter-appended) ---
"""Pipeline reference for scband-content-only-strict-router-51934744543430 (READ-ONLY COPY).

The authoritative reference and input builder live on the scoring server;
editing this copy changes nothing except your own understanding.
"""

import jax, jax.numpy as jnp
import numpy as np

NUM_TILES = 8
D_CONTENT = 64
B, S = 4, 8192

def setup_inputs(seed: int = 0) -> dict:
    key = jax.random.key(seed)
    k_x, k_pos, k_sig = jax.random.split(key, 3)
    x = jax.random.normal(k_x, (B, S, D_CONTENT), dtype=jnp.float32)
    positions = jax.random.randint(k_pos, (B, S), 0, S).astype(jnp.int64)
    seq_len = S  # python int scalar
    content_sigs = jax.random.normal(k_sig, (NUM_TILES, D_CONTENT), dtype=jnp.float32) * 0.1
    return {"x": x, "positions": positions, "seq_len": seq_len, "content_sigs": content_sigs}

def get_content_class(x):
    f0_pos = (x[..., 0] > 0).astype(jnp.int32)
    f1_pos = (x[..., 1] > 0).astype(jnp.int32)
    return f0_pos * 2 + f1_pos

def get_target_tile(positions, x, seq_len):
    is_early = positions < (seq_len / 2)
    position_class = (~is_early).astype(jnp.int32)
    content_class = get_content_class(x)
    return position_class * 4 + content_class

def reference(x, positions, seq_len, content_sigs):
    scores = jnp.einsum('bsc,tc->bst', x, jnp.tanh(content_sigs))
    selected = jnp.argmax(scores, axis=-1)
    targets = get_target_tile(positions, x, seq_len)
    # original torch module also returns a static dict
    # {'position_weight': 0.0, 'content_weight': 1.0}; omitted (non-tensor)
    return (selected, targets)

if __name__ == "__main__":
    import jax
    _d = setup_inputs()
    print(jax.jit(kernel)(*tuple(_d.values())))

</pallas_src>

<mosaic_0001>
#map = affine_map<(d0, d1) -> (0, 0, 0)>
#map1 = affine_map<(d0, d1) -> (0, 0)>
#map2 = affine_map<(d0, d1) -> (0)>
module attributes {stable_mosaic.version = 14 : i64} {
  func.func @sc_router(%arg0: i32, %arg1: i32, %arg2: memref<4x64x8192xf32, #tpu.memory_space<hbm>>, %arg3: memref<4x8192xi32, #tpu.memory_space<hbm>>, %arg4: memref<64x128xf32, #tpu.memory_space<hbm>>, %arg5: memref<16xi32, #tpu.memory_space<hbm>>, %arg6: memref<4x8192xi32, #tpu.memory_space<hbm>>, %arg7: memref<4x8192xi32, #tpu.memory_space<hbm>>, %arg8: memref<64x1024xf32, #tpu.memory_space<vmem>>, %arg9: memref<1024xi32, #tpu.memory_space<vmem>>, %arg10: memref<64x128xf32, #tpu.memory_space<vmem>>, %arg11: memref<16xi32, #tpu.memory_space<vmem>>, %arg12: memref<1024xi32, #tpu.memory_space<vmem>>, %arg13: memref<1024xi32, #tpu.memory_space<vmem>>) attributes {dimension_semantics = [#tpu.dimension_semantics<core_parallel>, #tpu.dimension_semantics<subcore_parallel>], iteration_bounds = array<i64: 2, 16>, scalar_prefetch = 0 : i64, scratch_operands = 6 : i64, tpu.core_type = #tpu.core_type<sc_vector_subcore>, window_params = [{transform_indices = #map}, {transform_indices = #map1}, {transform_indices = #map1}, {transform_indices = #map2}, {transform_indices = #map1}, {transform_indices = #map1}]} {
    %mul3A = arith.constant 2 : i32
    %mul3A_0 = arith.muli %arg1, %mul3A : i32
    %add3A = arith.addi %mul3A_0, %arg0 : i32
    %jit3A = arith.constant 8 : i32
    %div3A = arith.divsi %add3A, %jit3A : i32
    %sign3A = arith.constant 0 : i32
    %sign3A_1 = arith.cmpi sgt, %add3A, %sign3A : i32
    %sign3A_2 = arith.extui %sign3A_1 : i1 to i32
    %sign3A_3 = arith.constant 0 : i32
    %sign3A_4 = arith.cmpi slt, %add3A, %sign3A_3 : i32
    %sign3A_5 = arith.extui %sign3A_4 : i1 to i32
    %sign3A_6 = arith.subi %sign3A_2, %sign3A_5 : i32
    %sign3A_7 = arith.constant 0 : i32
    %sign3A_8 = arith.cmpi sgt, %jit3A, %sign3A_7 : i32
    %sign3A_9 = arith.extui %sign3A_8 : i1 to i32
    %sign3A_10 = arith.constant 0 : i32
    %sign3A_11 = arith.cmpi slt, %jit3A, %sign3A_10 : i32
    %sign3A_12 = arith.extui %sign3A_11 : i1 to i32
    %sign3A_13 = arith.subi %sign3A_9, %sign3A_12 : i32
    %ne3A = arith.cmpi ne, %sign3A_6, %sign3A_13 : i32
    %rem3A = arith.remsi %add3A, %jit3A : i32
    %ne3A_14 = arith.constant 0 : i32
    %ne3A_15 = arith.cmpi ne, %rem3A, %ne3A_14 : i32
    %and3A = arith.andi %ne3A, %ne3A_15 : i1
    %sub3A = arith.constant 1 : i32
    %sub3A_16 = arith.subi %div3A, %sub3A : i32
    %select_n3A = arith.select %and3A, %sub3A_16, %div3A : i32
    %jit3A_17 = arith.constant 8 : i32
    %eq3A = arith.constant 0 : i32
    %eq3A_18 = arith.cmpi eq, %jit3A_17, %eq3A : i32
    %jit3A_19 = arith.constant 1 : i32
    %select_n3A_20 = arith.select %eq3A_18, %jit3A_19, %jit3A_17 : i32
    %rem3A_21 = arith.remsi %add3A, %select_n3A_20 : i32
    %ne3A_22 = arith.constant 0 : i32
    %ne3A_23 = arith.cmpi ne, %rem3A_21, %ne3A_22 : i32
    %lt3A = arith.constant 0 : i32
    %lt3A_24 = arith.cmpi slt, %rem3A_21, %lt3A : i32
    %lt3A_25 = arith.constant 0 : i32
    %lt3A_26 = arith.cmpi slt, %select_n3A_20, %lt3A_25 : i32
    %ne3A_27 = arith.xori %lt3A_24, %lt3A_26 : i1
    %and3A_28 = arith.andi %ne3A_27, %ne3A_23 : i1
    %add3A_29 = arith.addi %rem3A_21, %select_n3A_20 : i32
    %select_n3A_30 = arith.select %and3A_28, %add3A_29, %rem3A_21 : i32
    %mul3A_31 = arith.constant 1024 : i32
    %mul3A_32 = arith.muli %select_n3A_30, %mul3A_31 : i32
    "tpu.region"() ({
      %run_scoped3A = tpu.sem_alloc : memref<!tpu.dma_semaphore, #tpu.memory_space<semaphore_mem>>
      %dma_start3A = arith.constant 0 : i32
      %dma_start3A_41 = tpu.memref_slice %arg2[%select_n3A, %dma_start3A, %mul3A_32] : memref<4x64x8192xf32, #tpu.memory_space<hbm>> -> memref<1x64x1024xf32, #tpu.memory_space<hbm>>
      %dma_start3A_42 = tpu.memref_squeeze %dma_start3A_41 : memref<1x64x1024xf32, #tpu.memory_space<hbm>> -> memref<64x1024xf32, #tpu.memory_space<hbm>>
      %dma_start3A_43 = arith.constant 0 : i32
      %dma_start3A_44 = tpu.memref_slice %arg2[%select_n3A, %dma_start3A_43, %mul3A_32] : memref<4x64x8192xf32, #tpu.memory_space<hbm>> -> memref<1x64x1024xf32, #tpu.memory_space<hbm>>
      %dma_start3A_45 = tpu.memref_squeeze %dma_start3A_44 : memref<1x64x1024xf32, #tpu.memory_space<hbm>> -> memref<64x1024xf32, #tpu.memory_space<hbm>>
      tpu.enqueue_dma source(%dma_start3A_45 : memref<64x1024xf32, #tpu.memory_space<hbm>>) target(%arg8 : memref<64x1024xf32, #tpu.memory_space<vmem>>) target_semaphore(%run_scoped3A : memref<!tpu.dma_semaphore, #tpu.memory_space<semaphore_mem>>)
      %dma_wait3A = arith.constant 0 : i32
      %dma_wait3A_46 = tpu.memref_slice %arg2[%select_n3A, %dma_wait3A, %mul3A_32] : memref<4x64x8192xf32, #tpu.memory_space<hbm>> -> memref<1x64x1024xf32, #tpu.memory_space<hbm>>
      %dma_wait3A_47 = tpu.memref_squeeze %dma_wait3A_46 : memref<1x64x1024xf32, #tpu.memory_space<hbm>> -> memref<64x1024xf32, #tpu.memory_space<hbm>>
      %dma_wait3A_48 = arith.constant 0 : i32
      %dma_wait3A_49 = tpu.memref_slice %arg2[%select_n3A, %dma_wait3A_48, %mul3A_32] : memref<4x64x8192xf32, #tpu.memory_space<hbm>> -> memref<1x64x1024xf32, #tpu.memory_space<hbm>>
      %dma_wait3A_50 = tpu.memref_squeeze %dma_wait3A_49 : memref<1x64x1024xf32, #tpu.memory_space<hbm>> -> memref<64x1024xf32, #tpu.memory_space<hbm>>
      tpu.wait_dma2 semaphore(%run_scoped3A : memref<!tpu.dma_semaphore, #tpu.memory_space<semaphore_mem>>) src(%dma_wait3A_50 : memref<64x1024xf32, #tpu.memory_space<hbm>>) dst(%arg8 : memref<64x1024xf32, #tpu.memory_space<vmem>>)
      tpu.yield
    }) : () -> ()
    "tpu.region"() ({
      %run_scoped3A = tpu.sem_alloc : memref<!tpu.dma_semaphore, #tpu.memory_space<semaphore_mem>>
      %dma_start3A = tpu.memref_slice %arg3[%select_n3A, %mul3A_32] : memref<4x8192xi32, #tpu.memory_space<hbm>> -> memref<1x1024xi32, #tpu.memory_space<hbm>>
      %dma_start3A_41 = tpu.memref_squeeze %dma_start3A : memref<1x1024xi32, #tpu.memory_space<hbm>> -> memref<1024xi32, #tpu.memory_space<hbm>>
      %dma_start3A_42 = tpu.memref_slice %arg3[%select_n3A, %mul3A_32] : memref<4x8192xi32, #tpu.memory_space<hbm>> -> memref<1x1024xi32, #tpu.memory_space<hbm>>
      %dma_start3A_43 = tpu.memref_squeeze %dma_start3A_42 : memref<1x1024xi32, #tpu.memory_space<hbm>> -> memref<1024xi32, #tpu.memory_space<hbm>>
      tpu.enqueue_dma source(%dma_start3A_43 : memref<1024xi32, #tpu.memory_space<hbm>>) target(%arg9 : memref<1024xi32, #tpu.memory_space<vmem>>) target_semaphore(%run_scoped3A : memref<!tpu.dma_semaphore, #tpu.memory_space<semaphore_mem>>)
      %dma_wait3A = tpu.memref_slice %arg3[%select_n3A, %mul3A_32] : memref<4x8192xi32, #tpu.memory_space<hbm>> -> memref<1x1024xi32, #tpu.memory_space<hbm>>
      %dma_wait3A_44 = tpu.memref_squeeze %dma_wait3A : memref<1x1024xi32, #tpu.memory_space<hbm>> -> memref<1024xi32, #tpu.memory_space<hbm>>
      %dma_wait3A_45 = tpu.memref_slice %arg3[%select_n3A, %mul3A_32] : memref<4x8192xi32, #tpu.memory_space<hbm>> -> memref<1x1024xi32, #tpu.memory_space<hbm>>
      %dma_wait3A_46 = tpu.memref_squeeze %dma_wait3A_45 : memref<1x1024xi32, #tpu.memory_space<hbm>> -> memref<1024xi32, #tpu.memory_space<hbm>>
      tpu.wait_dma2 semaphore(%run_scoped3A : memref<!tpu.dma_semaphore, #tpu.memory_space<semaphore_mem>>) src(%dma_wait3A_46 : memref<1024xi32, #tpu.memory_space<hbm>>) dst(%arg9 : memref<1024xi32, #tpu.memory_space<vmem>>)
      tpu.yield
    }) : () -> ()
    "tpu.region"() ({
      %run_scoped3A = tpu.sem_alloc : memref<!tpu.dma_semaphore, #tpu.memory_space<semaphore_mem>>
      tpu.enqueue_dma source(%arg4 : memref<64x128xf32, #tpu.memory_space<hbm>>) target(%arg10 : memref<64x128xf32, #tpu.memory_space<vmem>>) target_semaphore(%run_scoped3A : memref<!tpu.dma_semaphore, #tpu.memory_space<semaphore_mem>>)
      tpu.wait_dma2 semaphore(%run_scoped3A : memref<!tpu.dma_semaphore, #tpu.memory_space<semaphore_mem>>) src(%arg4 : memref<64x128xf32, #tpu.memory_space<hbm>>) dst(%arg10 : memref<64x128xf32, #tpu.memory_space<vmem>>)
      tpu.yield
    }) : () -> ()
    "tpu.region"() ({
      %run_scoped3A = tpu.sem_alloc : memref<!tpu.dma_semaphore, #tpu.memory_space<semaphore_mem>>
      tpu.enqueue_dma source(%arg5 : memref<16xi32, #tpu.memory_space<hbm>>) target(%arg11 : memref<16xi32, #tpu.memory_space<vmem>>) target_semaphore(%run_scoped3A : memref<!tpu.dma_semaphore, #tpu.memory_space<semaphore_mem>>)
      tpu.wait_dma2 semaphore(%run_scoped3A : memref<!tpu.dma_semaphore, #tpu.memory_space<semaphore_mem>>) src(%arg5 : memref<16xi32, #tpu.memory_space<hbm>>) dst(%arg11 : memref<16xi32, #tpu.memory_space<vmem>>)
      tpu.yield
    }) : () -> ()
    %get3A = arith.constant 0 : index
    %get3A_33 = tpu.vector_load %arg11[%get3A] {strides = array<i32>} : memref<16xi32, #tpu.memory_space<vmem>>, vector<16xi32>,
    %get3A_34 = vector.shape_cast %get3A_33 : vector<16xi32> to vector<16xi32>
    %broadcast_in_dim3A = arith.constant 0.000000e+00 : f32
    %broadcast_in_dim3A_35 = vector.broadcast %broadcast_in_dim3A : f32 to vector<16xf32>
    %scan3A = arith.constant 0 : i32
    %scan3A_36 = arith.constant 0 : i32
    %scan3A_37 = arith.constant 16 : i32
    %scan3A_38 = arith.addi %scan3A_36, %scan3A_37 : i32
    %scan3A_39 = arith.constant 1 : i32
    scf.for %scan3A_41 = %scan3A_36 to %scan3A_38 step %scan3A_39  : i32 {
      %mul3A_42 = arith.constant 64 : i32
      %mul3A_43 = arith.muli %scan3A_41, %mul3A_42 : i32
      %scan3A_44 = arith.constant 0 : i32
      %scan3A_45 = arith.constant 64 : i32
      %scan3A_46 = arith.addi %scan3A_44, %scan3A_45 : i32
      %scan3A_47 = arith.constant 4 : i32
      %scan3A_48:32 = scf.for %scan3A_383 = %scan3A_44 to %scan3A_46 step %scan3A_47 iter_args(%scan3A_384 = %broadcast_in_dim3A_35, %scan3A_385 = %broadcast_in_dim3A_35, %scan3A_386 = %broadcast_in_dim3A_35, %scan3A_387 = %broadcast_in_dim3A_35, %scan3A_388 = %broadcast_in_dim3A_35, %scan3A_389 = %broadcast_in_dim3A_35, %scan3A_390 = %broadcast_in_dim3A_35, %scan3A_391 = %broadcast_in_dim3A_35, %scan3A_392 = %broadcast_in_dim3A_35, %scan3A_393 = %broadcast_in_dim3A_35, %scan3A_394 = %broadcast_in_dim3A_35, %scan3A_395 = %broadcast_in_dim3A_35, %scan3A_396 = %broadcast_in_dim3A_35, %scan3A_397 = %broadcast_in_dim3A_35, %scan3A_398 = %broadcast_in_dim3A_35, %scan3A_399 = %broadcast_in_dim3A_35, %scan3A_400 = %broadcast_in_dim3A_35, %scan3A_401 = %broadcast_in_dim3A_35, %scan3A_402 = %broadcast_in_dim3A_35, %scan3A_403 = %broadcast_in_dim3A_35, %scan3A_404 = %broadcast_in_dim3A_35, %scan3A_405 = %broadcast_in_dim3A_35, %scan3A_406 = %broadcast_in_dim3A_35, %scan3A_407 = %broadcast_in_dim3A_35, %scan3A_408 = %broadcast_in_dim3A_35, %scan3A_409 = %broadcast_in_dim3A_35, %scan3A_410 = %broadcast_in_dim3A_35, %scan3A_411 = %broadcast_in_dim3A_35, %scan3A_412 = %broadcast_in_dim3A_35, %scan3A_413 = %broadcast_in_dim3A_35, %scan3A_414 = %broadcast_in_dim3A_35, %scan3A_415 = %broadcast_in_dim3A_35) -> (vector<16xf32>, vector<16xf32>, vector<16xf32>, vector<16xf32>, vector<16xf32>, vector<16xf32>, vector<16xf32>, vector<16xf32>, vector<16xf32>, vector<16xf32>, vector<16xf32>, vector<16xf32>, vector<16xf32>, vector<16xf32>, vector<16xf32>, vector<16xf32>, vector<16xf32>, vector<16xf32>, vector<16xf32>, vector<16xf32>, vector<16xf32>, vector<16xf32>, vector<16xf32>, vector<16xf32>, vector<16xf32>, vector<16xf32>, vector<16xf32>, vector<16xf32>, vector<16xf32>, vector<16xf32>, vector<16xf32>, vector<16xf32>)  : i32 {
        %add3A_416 = arith.constant 0 : i32
        %add3A_417 = arith.addi %mul3A_43, %add3A_416 : i32
        %get3A_418 = arith.index_cast %scan3A_383 : i32 to index
        %get3A_419 = arith.index_cast %add3A_417 : i32 to index
        %get3A_420 = tpu.vector_load %arg8[%get3A_418, %get3A_419] {strides = array<i32>} : memref<64x1024xf32, #tpu.memory_space<vmem>>, vector<1x16xf32>,
        %get3A_421 = vector.shape_cast %get3A_420 : vector<1x16xf32> to vector<16xf32>
        %bitcast_convert_type3A = tpu.bitcast %get3A_421 : vector<16xf32> -> vector<16xi32>
        %shift_right_logical3A = arith.constant 16 : i32
        %shift_right_logical3A_422 = vector.broadcast %shift_right_logical3A : i32 to vector<16xi32>
        %shift_right_logical3A_423 = arith.shrui %bitcast_convert_type3A, %shift_right_logical3A_422 : vector<16xi32>
        %and3A_424 = arith.constant 1 : i32
        %and3A_425 = vector.broadcast %and3A_424 : i32 to vector<16xi32>
        %and3A_426 = arith.andi %shift_right_logical3A_423, %and3A_425 : vector<16xi32>
        %add3A_427 = arith.constant 32767 : i32
        %add3A_428 = vector.broadcast %add3A_427 : i32 to vector<16xi32>
        %add3A_429 = arith.addi %bitcast_convert_type3A, %add3A_428 : vector<16xi32>
        %add3A_430 = arith.addi %add3A_429, %and3A_426 : vector<16xi32>
        %and3A_431 = arith.constant -65536 : i32
        %and3A_432 = vector.broadcast %and3A_431 : i32 to vector<16xi32>
        %and3A_433 = arith.andi %add3A_430, %and3A_432 : vector<16xi32>
        %bitcast_convert_type3A_434 = tpu.bitcast %and3A_433 : vector<16xi32> -> vector<16xf32>
        %add3A_435 = arith.constant 16 : i32
        %add3A_436 = arith.addi %mul3A_43, %add3A_435 : i32
        %get3A_437 = arith.index_cast %scan3A_383 : i32 to index
        %get3A_438 = arith.index_cast %add3A_436 : i32 to index
        %get3A_439 = tpu.vector_load %arg8[%get3A_437, %get3A_438] {strides = array<i32>} : memref<64x1024xf32, #tpu.memory_space<vmem>>, vector<1x16xf32>,
        %get3A_440 = vector.shape_cast %get3A_439 : vector<1x16xf32> to vector<16xf32>
        %bitcast_convert_type3A_441 = tpu.bitcast %get3A_440 : vector<16xf32> -> vector<16xi32>
        %shift_right_logical3A_442 = arith.constant 16 : i32
        %shift_right_logical3A_443 = vector.broadcast %shift_right_logical3A_442 : i32 to vector<16xi32>
        %shift_right_logical3A_444 = arith.shrui %bitcast_convert_type3A_441, %shift_right_logical3A_443 : vector<16xi32>
        %and3A_445 = arith.constant 1 : i32
        %and3A_446 = vector.broadcast %and3A_445 : i32 to vector<16xi32>
        %and3A_447 = arith.andi %shift_right_logical3A_444, %and3A_446 : vector<16xi32>
        %add3A_448 = arith.constant 32767 : i32
        %add3A_449 = vector.broadcast %add3A_448 : i32 to vector<16xi32>
        %add3A_450 = arith.addi %bitcast_convert_type3A_441, %add3A_449 : vector<16xi32>
        %add3A_451 = arith.addi %add3A_450, %and3A_447 : vector<16xi32>
        %and3A_452 = arith.constant -65536 : i32
        %and3A_453 = vector.broadcast %and3A_452 : i32 to vector<16xi32>
        %and3A_454 = arith.andi %add3A_451, %and3A_453 : vector<16xi32>
        %bitcast_convert_type3A_455 = tpu.bitcast %and3A_454 : vector<16xi32> -> vector<16xf32>
        %add3A_456 = arith.constant 32 : i32
        %add3A_457 = arith.addi %mul3A_43, %add3A_456 : i32
        %get3A_458 = arith.index_cast %scan3A_383 : i32 to index
        %get3A_459 = arith.index_cast %add3A_457 : i32 to index
        %get3A_460 = tpu.vector_load %arg8[%get3A_458, %get3A_459] {strides = array<i32>} : memref<64x1024xf32, #tpu.memory_space<vmem>>, vector<1x16xf32>,
        %get3A_461 = vector.shape_cast %get3A_460 : vector<1x16xf32> to vector<16xf32>
        %bitcast_convert_type3A_462 = tpu.bitcast %get3A_461 : vector<16xf32> -> vector<16xi32>
        %shift_right_logical3A_463 = arith.constant 16 : i32
        %shift_right_logical3A_464 = vector.broadcast %shift_right_logical3A_463 : i32 to vector<16xi32>
        %shift_right_logical3A_465 = arith.shrui %bitcast_convert_type3A_462, %shift_right_logical3A_464 : vector<16xi32>
        %and3A_466 = arith.constant 1 : i32
        %and3A_467 = vector.broadcast %and3A_466 : i32 to vector<16xi32>
        %and3A_468 = arith.andi %shift_right_logical3A_465, %and3A_467 : vector<16xi32>
        %add3A_469 = arith.constant 32767 : i32
        %add3A_470 = vector.broadcast %add3A_469 : i32 to vector<16xi32>
        %add3A_471 = arith.addi %bitcast_convert_type3A_462, %add3A_470 : vector<16xi32>
        %add3A_472 = arith.addi %add3A_471, %and3A_468 : vector<16xi32>
        %and3A_473 = arith.constant -65536 : i32
        %and3A_474 = vector.broadcast %and3A_473 : i32 to vector<16xi32>
        %and3A_475 = arith.andi %add3A_472, %and3A_474 : vector<16xi32>
        %bitcast_convert_type3A_476 = tpu.bitcast %and3A_475 : vector<16xi32> -> vector<16xf32>
        %add3A_477 = arith.constant 48 : i32
        %add3A_478 = arith.addi %mul3A_43, %add3A_477 : i32
        %get3A_479 = arith.index_cast %scan3A_383 : i32 to index
        %get3A_480 = arith.index_cast %add3A_478 : i32 to index
        %get3A_481 = tpu.vector_load %arg8[%get3A_479, %get3A_480] {strides = array<i32>} : memref<64x1024xf32, #tpu.memory_space<vmem>>, vector<1x16xf32>,
        %get3A_482 = vector.shape_cast %get3A_481 : vector<1x16xf32> to vector<16xf32>
        %bitcast_convert_type3A_483 = tpu.bitcast %get3A_482 : vector<16xf32> -> vector<16xi32>
        %shift_right_logical3A_484 = arith.constant 16 : i32
        %shift_right_logical3A_485 = vector.broadcast %shift_right_logical3A_484 : i32 to vector<16xi32>
        %shift_right_logical3A_486 = arith.shrui %bitcast_convert_type3A_483, %shift_right_logical3A_485 : vector<16xi32>
        %and3A_487 = arith.constant 1 : i32
        %and3A_488 = vector.broadcast %and3A_487 : i32 to vector<16xi32>
        %and3A_489 = arith.andi %shift_right_logical3A_486, %and3A_488 : vector<16xi32>
        %add3A_490 = arith.constant 32767 : i32
        %add3A_491 = vector.broadcast %add3A_490 : i32 to vector<16xi32>
        %add3A_492 = arith.addi %bitcast_convert_type3A_483, %add3A_491 : vector<16xi32>
        %add3A_493 = arith.addi %add3A_492, %and3A_489 : vector<16xi32>
        %and3A_494 = arith.constant -65536 : i32
        %and3A_495 = vector.broadcast %and3A_494 : i32 to vector<16xi32>
        %and3A_496 = arith.andi %add3A_493, %and3A_495 : vector<16xi32>
        %bitcast_convert_type3A_497 = tpu.bitcast %and3A_496 : vector<16xi32> -> vector<16xf32>
        %get3A_498 = arith.index_cast %scan3A_383 : i32 to index
        %get3A_499 = arith.constant 0 : index
        %get3A_500 = tpu.vector_load %arg10[%get3A_498, %get3A_499] {strides = array<i32>} : memref<64x128xf32, #tpu.memory_space<vmem>>, vector<1x16xf32>,
        %get3A_501 = vector.shape_cast %get3A_500 : vector<1x16xf32> to vector<16xf32>
        %mul3A_502 = arith.mulf %bitcast_convert_type3A_434, %get3A_501 : vector<16xf32>
        %add3A_503 = arith.addf %scan3A_384, %mul3A_502 : vector<16xf32>
        %mul3A_504 = arith.mulf %bitcast_convert_type3A_455, %get3A_501 : vector<16xf32>
        %add3A_505 = arith.addf %scan3A_385, %mul3A_504 : vector<16xf32>
        %mul3A_506 = arith.mulf %bitcast_convert_type3A_476, %get3A_501 : vector<16xf32>
        %add3A_507 = arith.addf %scan3A_386, %mul3A_506 : vector<16xf32>
        %mul3A_508 = arith.mulf %bitcast_convert_type3A_497, %get3A_501 : vector<16xf32>
        %add3A_509 = arith.addf %scan3A_387, %mul3A_508 : vector<16xf32>
        %get3A_510 = arith.index_cast %scan3A_383 : i32 to index
        %get3A_511 = arith.constant 16 : index
        %get3A_512 = tpu.vector_load %arg10[%get3A_510, %get3A_511] {strides = array<i32>} : memref<64x128xf32, #tpu.memory_space<vmem>>, vector<1x16xf32>,
        %get3A_513 = vector.shape_cast %get3A_512 : vector<1x16xf32> to vector<16xf32>
        %mul3A_514 = arith.mulf %bitcast_convert_type3A_434, %get3A_513 : vector<16xf32>
        %add3A_515 = arith.addf %scan3A_388, %mul3A_514 : vector<16xf32>
        %mul3A_516 = arith.mulf %bitcast_convert_type3A_455, %get3A_513 : vector<16xf32>
        %add3A_517 = arith.addf %scan3A_389, %mul3A_516 : vector<16xf32>
        %mul3A_518 = arith.mulf %bitcast_convert_type3A_476, %get3A_513 : vector<16xf32>
        %add3A_519 = arith.addf %scan3A_390, %mul3A_518 : vector<16xf32>
        %mul3A_520 = arith.mulf %bitcast_convert_type3A_497, %get3A_513 : vector<16xf32>
        %add3A_521 = arith.addf %scan3A_391, %mul3A_520 : vector<16xf32>
        %get3A_522 = arith.index_cast %scan3A_383 : i32 to index
        %get3A_523 = arith.constant 32 : index
        %get3A_524 = tpu.vector_load %arg10[%get3A_522, %get3A_523] {strides = array<i32>} : memref<64x128xf32, #tpu.memory_space<vmem>>, vector<1x16xf32>,
        %get3A_525 = vector.shape_cast %get3A_524 : vector<1x16xf32> to vector<16xf32>
        %mul3A_526 = arith.mulf %bitcast_convert_type3A_434, %get3A_525 : vector<16xf32>
        %add3A_527 = arith.addf %scan3A_392, %mul3A_526 : vector<16xf32>
        %mul3A_528 = arith.mulf %bitcast_convert_type3A_455, %get3A_525 : vector<16xf32>
        %add3A_529 = arith.addf %scan3A_393, %mul3A_528 : vector<16xf32>
        %mul3A_530 = arith.mulf %bitcast_convert_type3A_476, %get3A_525 : vector<16xf32>
        %add3A_531 = arith.addf %scan3A_394, %mul3A_530 : vector<16xf32>
        %mul3A_532 = arith.mulf %bitcast_convert_type3A_497, %get3A_525 : vector<16xf32>
        %add3A_533 = arith.addf %scan3A_395, %mul3A_532 : vector<16xf32>
        %get3A_534 = arith.index_cast %scan3A_383 : i32 to index
        %get3A_535 = arith.constant 48 : index
        %get3A_536 = tpu.vector_load %arg10[%get3A_534, %get3A_535] {strides = array<i32>} : memref<64x128xf32, #tpu.memory_space<vmem>>, vector<1x16xf32>,
        %get3A_537 = vector.shape_cast %get3A_536 : vector<1x16xf32> to vector<16xf32>
        %mul3A_538 = arith.mulf %bitcast_convert_type3A_434, %get3A_537 : vector<16xf32>
        %add3A_539 = arith.addf %scan3A_396, %mul3A_538 : vector<16xf32>
        %mul3A_540 = arith.mulf %bitcast_convert_type3A_455, %get3A_537 : vector<16xf32>
        %add3A_541 = arith.addf %scan3A_397, %mul3A_540 : vector<16xf32>
        %mul3A_542 = arith.mulf %bitcast_convert_type3A_476, %get3A_537 : vector<16xf32>
        %add3A_543 = arith.addf %scan3A_398, %mul3A_542 : vector<16xf32>
        %mul3A_544 = arith.mulf %bitcast_convert_type3A_497, %get3A_537 : vector<16xf32>
        %add3A_545 = arith.addf %scan3A_399, %mul3A_544 : vector<16xf32>
        %get3A_546 = arith.index_cast %scan3A_383 : i32 to index
        %get3A_547 = arith.constant 64 : index
        %get3A_548 = tpu.vector_load %arg10[%get3A_546, %get3A_547] {strides = array<i32>} : memref<64x128xf32, #tpu.memory_space<vmem>>, vector<1x16xf32>,
        %get3A_549 = vector.shape_cast %get3A_548 : vector<1x16xf32> to vector<16xf32>
        %mul3A_550 = arith.mulf %bitcast_convert_type3A_434, %get3A_549 : vector<16xf32>
        %add3A_551 = arith.addf %scan3A_400, %mul3A_550 : vector<16xf32>
        %mul3A_552 = arith.mulf %bitcast_convert_type3A_455, %get3A_549 : vector<16xf32>
        %add3A_553 = arith.addf %scan3A_401, %mul3A_552 : vector<16xf32>
        %mul3A_554 = arith.mulf %bitcast_convert_type3A_476, %get3A_549 : vector<16xf32>
        %add3A_555 = arith.addf %scan3A_402, %mul3A_554 : vector<16xf32>
        %mul3A_556 = arith.mulf %bitcast_convert_type3A_497, %get3A_549 : vector<16xf32>
        %add3A_557 = arith.addf %scan3A_403, %mul3A_556 : vector<16xf32>
        %get3A_558 = arith.index_cast %scan3A_383 : i32 to index
        %get3A_559 = arith.constant 80 : index
        %get3A_560 = tpu.vector_load %arg10[%get3A_558, %get3A_559] {strides = array<i32>} : memref<64x128xf32, #tpu.memory_space<vmem>>, vector<1x16xf32>,
        %get3A_561 = vector.shape_cast %get3A_560 : vector<1x16xf32> to vector<16xf32>
        %mul3A_562 = arith.mulf %bitcast_convert_type3A_434, %get3A_561 : vector<16xf32>
        %add3A_563 = arith.addf %scan3A_404, %mul3A_562 : vector<16xf32>
        %mul3A_564 = arith.mulf %bitcast_convert_type3A_455, %get3A_561 : vector<16xf32>
        %add3A_565 = arith.addf %scan3A_405, %mul3A_564 : vector<16xf32>
        %mul3A_566 = arith.mulf %bitcast_convert_type3A_476, %get3A_561 : vector<16xf32>
        %add3A_567 = arith.addf %scan3A_406, %mul3A_566 : vector<16xf32>
        %mul3A_568 = arith.mulf %bitcast_convert_type3A_497, %get3A_561 : vector<16xf32>
        %add3A_569 = arith.addf %scan3A_407, %mul3A_568 : vector<16xf32>
        %get3A_570 = arith.index_cast %scan3A_383 : i32 to index
        %get3A_571 = arith.constant 96 : index
        %get3A_572 = tpu.vector_load %arg10[%get3A_570, %get3A_571] {strides = array<i32>} : memref<64x128xf32, #tpu.memory_space<vmem>>, vector<1x16xf32>,
        %get3A_573 = vector.shape_cast %get3A_572 : vector<1x16xf32> to vector<16xf32>
        %mul3A_574 = arith.mulf %bitcast_convert_type3A_434, %get3A_573 : vector<16xf32>
        %add3A_575 = arith.addf %scan3A_408, %mul3A_574 : vector<16xf32>
        %mul3A_576 = arith.mulf %bitcast_convert_type3A_455, %get3A_573 : vector<16xf32>
        %add3A_577 = arith.addf %scan3A_409, %mul3A_576 : vector<16xf32>
        %mul3A_578 = arith.mulf %bitcast_convert_type3A_476, %get3A_573 : vector<16xf32>
        %add3A_579 = arith.addf %scan3A_410, %mul3A_578 : vector<16xf32>
        %mul3A_580 = arith.mulf %bitcast_convert_type3A_497, %get3A_573 : vector<16xf32>
        %add3A_581 = arith.addf %scan3A_411, %mul3A_580 : vector<16xf32>
        %get3A_582 = arith.index_cast %scan3A_383 : i32 to index
        %get3A_583 = arith.constant 112 : index
        %get3A_584 = tpu.vector_load %arg10[%get3A_582, %get3A_583] {strides = array<i32>} : memref<64x128xf32, #tpu.memory_space<vmem>>, vector<1x16xf32>,
        %get3A_585 = vector.shape_cast %get3A_584 : vector<1x16xf32> to vector<16xf32>
        %mul3A_586 = arith.mulf %bitcast_convert_type3A_434, %get3A_585 : vector<16xf32>
        %add3A_587 = arith.addf %scan3A_412, %mul3A_586 : vector<16xf32>
        %mul3A_588 = arith.mulf %bitcast_convert_type3A_455, %get3A_585 : vector<16xf32>
        %add3A_589 = arith.addf %scan3A_413, %mul3A_588 : vector<16xf32>
        %mul3A_590 = arith.mulf %bitcast_convert_type3A_476, %get3A_585 : vector<16xf32>
        %add3A_591 = arith.addf %scan3A_414, %mul3A_590 : vector<16xf32>
        %mul3A_592 = arith.mulf %bitcast_convert_type3A_497, %get3A_585 : vector<16xf32>
        %add3A_593 = arith.addf %scan3A_415, %mul3A_592 : vector<16xf32>
        %scan3A_594 = arith.constant 1 : i32
        %scan3A_595 = arith.addi %scan3A_383, %scan3A_594 : i32
        %add3A_596 = arith.constant 0 : i32
        %add3A_597 = arith.addi %mul3A_43, %add3A_596 : i32
        %get3A_598 = arith.index_cast %scan3A_595 : i32 to index
        %get3A_599 = arith.index_cast %add3A_597 : i32 to index
        %get3A_600 = tpu.vector_load %arg8[%get3A_598, %get3A_599] {strides = array<i32>} : memref<64x1024xf32, #tpu.memory_space<vmem>>, vector<1x16xf32>,
        %get3A_601 = vector.shape_cast %get3A_600 : vector<1x16xf32> to vector<16xf32>
        %bitcast_convert_type3A_602 = tpu.bitcast %get3A_601 : vector<16xf32> -> vector<16xi32>
        %shift_right_logical3A_603 = arith.constant 16 : i32
        %shift_right_logical3A_604 = vector.broadcast %shift_right_logical3A_603 : i32 to vector<16xi32>
        %shift_right_logical3A_605 = arith.shrui %bitcast_convert_type3A_602, %shift_right_logical3A_604 : vector<16xi32>
        %and3A_606 = arith.constant 1 : i32
        %and3A_607 = vector.broadcast %and3A_606 : i32 to vector<16xi32>
        %and3A_608 = arith.andi %shift_right_logical3A_605, %and3A_607 : vector<16xi32>
        %add3A_609 = arith.constant 32767 : i32
        %add3A_610 = vector.broadcast %add3A_609 : i32 to vector<16xi32>
        %add3A_611 = arith.addi %bitcast_convert_type3A_602, %add3A_610 : vector<16xi32>
        %add3A_612 = arith.addi %add3A_611, %and3A_608 : vector<16xi32>
        %and3A_613 = arith.constant -65536 : i32
        %and3A_614 = vector.broadcast %and3A_613 : i32 to vector<16xi32>
        %and3A_615 = arith.andi %add3A_612, %and3A_614 : vector<16xi32>
        %bitcast_convert_type3A_616 = tpu.bitcast %and3A_615 : vector<16xi32> -> vector<16xf32>
        %add3A_617 = arith.constant 16 : i32
        %add3A_618 = arith.addi %mul3A_43, %add3A_617 : i32
        %get3A_619 = arith.index_cast %scan3A_595 : i32 to index
        %get3A_620 = arith.index_cast %add3A_618 : i32 to index
        %get3A_621 = tpu.vector_load %arg8[%get3A_619, %get3A_620] {strides = array<i32>} : memref<64x1024xf32, #tpu.memory_space<vmem>>, vector<1x16xf32>,
        %get3A_622 = vector.shape_cast %get3A_621 : vector<1x16xf32> to vector<16xf32>
        %bitcast_convert_type3A_623 = tpu.bitcast %get3A_622 : vector<16xf32> -> vector<16xi32>
        %shift_right_logical3A_624 = arith.constant 16 : i32
        %shift_right_logical3A_625 = vector.broadcast %shift_right_logical3A_624 : i32 to vector<16xi32>
        %shift_right_logical3A_626 = arith.shrui %bitcast_convert_type3A_623, %shift_right_logical3A_625 : vector<16xi32>
        %and3A_627 = arith.constant 1 : i32
        %and3A_628 = vector.broadcast %and3A_627 : i32 to vector<16xi32>
        %and3A_629 = arith.andi %shift_right_logical3A_626, %and3A_628 : vector<16xi32>
        %add3A_630 = arith.constant 32767 : i32
        %add3A_631 = vector.broadcast %add3A_630 : i32 to vector<16xi32>
        %add3A_632 = arith.addi %bitcast_convert_type3A_623, %add3A_631 : vector<16xi32>
        %add3A_633 = arith.addi %add3A_632, %and3A_629 : vector<16xi32>
        %and3A_634 = arith.constant -65536 : i32
        %and3A_635 = vector.broadcast %and3A_634 : i32 to vector<16xi32>
        %and3A_636 = arith.andi %add3A_633, %and3A_635 : vector<16xi32>
        %bitcast_convert_type3A_637 = tpu.bitcast %and3A_636 : vector<16xi32> -> vector<16xf32>
        %add3A_638 = arith.constant 32 : i32
        %add3A_639 = arith.addi %mul3A_43, %add3A_638 : i32
        %get3A_640 = arith.index_cast %scan3A_595 : i32 to index
        %get3A_641 = arith.index_cast %add3A_639 : i32 to index
        %get3A_642 = tpu.vector_load %arg8[%get3A_640, %get3A_641] {strides = array<i32>} : memref<64x1024xf32, #tpu.memory_space<vmem>>, vector<1x16xf32>,
        %get3A_643 = vector.shape_cast %get3A_642 : vector<1x16xf32> to vector<16xf32>
        %bitcast_convert_type3A_644 = tpu.bitcast %get3A_643 : vector<16xf32> -> vector<16xi32>
        %shift_right_logical3A_645 = arith.constant 16 : i32
        %shift_right_logical3A_646 = vector.broadcast %shift_right_logical3A_645 : i32 to vector<16xi32>
        %shift_right_logical3A_647 = arith.shrui %bitcast_convert_type3A_644, %shift_right_logical3A_646 : vector<16xi32>
        %and3A_648 = arith.constant 1 : i32
        %and3A_649 = vector.broadcast %and3A_648 : i32 to vector<16xi32>
        %and3A_650 = arith.andi %shift_right_logical3A_647, %and3A_649 : vector<16xi32>
        %add3A_651 = arith.constant 32767 : i32
        %add3A_652 = vector.broadcast %add3A_651 : i32 to vector<16xi32>
        %add3A_653 = arith.addi %bitcast_convert_type3A_644, %add3A_652 : vector<16xi32>
        %add3A_654 = arith.addi %add3A_653, %and3A_650 : vector<16xi32>
        %and3A_655 = arith.constant -65536 : i32
        %and3A_656 = vector.broadcast %and3A_655 : i32 to vector<16xi32>
        %and3A_657 = arith.andi %add3A_654, %and3A_656 : vector<16xi32>
        %bitcast_convert_type3A_658 = tpu.bitcast %and3A_657 : vector<16xi32> -> vector<16xf32>
        %add3A_659 = arith.constant 48 : i32
        %add3A_660 = arith.addi %mul3A_43, %add3A_659 : i32
        %get3A_661 = arith.index_cast %scan3A_595 : i32 to index
        %get3A_662 = arith.index_cast %add3A_660 : i32 to index
        %get3A_663 = tpu.vector_load %arg8[%get3A_661, %get3A_662] {strides = array<i32>} : memref<64x1024xf32, #tpu.memory_space<vmem>>, vector<1x16xf32>,
        %get3A_664 = vector.shape_cast %get3A_663 : vector<1x16xf32> to vector<16xf32>
        %bitcast_convert_type3A_665 = tpu.bitcast %get3A_664 : vector<16xf32> -> vector<16xi32>
        %shift_right_logical3A_666 = arith.constant 16 : i32
        %shift_right_logical3A_667 = vector.broadcast %shift_right_logical3A_666 : i32 to vector<16xi32>
        %shift_right_logical3A_668 = arith.shrui %bitcast_convert_type3A_665, %shift_right_logical3A_667 : vector<16xi32>
        %and3A_669 = arith.constant 1 : i32
        %and3A_670 = vector.broadcast %and3A_669 : i32 to vector<16xi32>
        %and3A_671 = arith.andi %shift_right_logical3A_668, %and3A_670 : vector<16xi32>
        %add3A_672 = arith.constant 32767 : i32
        %add3A_673 = vector.broadcast %add3A_672 : i32 to vector<16xi32>
        %add3A_674 = arith.addi %bitcast_convert_type3A_665, %add3A_673 : vector<16xi32>
        %add3A_675 = arith.addi %add3A_674, %and3A_671 : vector<16xi32>
        %and3A_676 = arith.constant -65536 : i32
        %and3A_677 = vector.broadcast %and3A_676 : i32 to vector<16xi32>
        %and3A_678 = arith.andi %add3A_675, %and3A_677 : vector<16xi32>
        %bitcast_convert_type3A_679 = tpu.bitcast %and3A_678 : vector<16xi32> -> vector<16xf32>
        %get3A_680 = arith.index_cast %scan3A_595 : i32 to index
        %get3A_681 = arith.constant 0 : index
        %get3A_682 = tpu.vector_load %arg10[%get3A_680, %get3A_681] {strides = array<i32>} : memref<64x128xf32, #tpu.memory_space<vmem>>, vector<1x16xf32>,
        %get3A_683 = vector.shape_cast %get3A_682 : vector<1x16xf32> to vector<16xf32>
        %mul3A_684 = arith.mulf %bitcast_convert_type3A_616, %get3A_683 : vector<16xf32>
        %add3A_685 = arith.addf %add3A_503, %mul3A_684 : vector<16xf32>
        %mul3A_686 = arith.mulf %bitcast_convert_type3A_637, %get3A_683 : vector<16xf32>
        %add3A_687 = arith.addf %add3A_505, %mul3A_686 : vector<16xf32>
        %mul3A_688 = arith.mulf %bitcast_convert_type3A_658, %get3A_683 : vector<16xf32>
        %add3A_689 = arith.addf %add3A_507, %mul3A_688 : vector<16xf32>
        %mul3A_690 = arith.mulf %bitcast_convert_type3A_679, %get3A_683 : vector<16xf32>
        %add3A_691 = arith.addf %add3A_509, %mul3A_690 : vector<16xf32>
        %get3A_692 = arith.index_cast %scan3A_595 : i32 to index
        %get3A_693 = arith.constant 16 : index
        %get3A_694 = tpu.vector_load %arg10[%get3A_692, %get3A_693] {strides = array<i32>} : memref<64x128xf32, #tpu.memory_space<vmem>>, vector<1x16xf32>,
        %get3A_695 = vector.shape_cast %get3A_694 : vector<1x16xf32> to vector<16xf32>
        %mul3A_696 = arith.mulf %bitcast_convert_type3A_616, %get3A_695 : vector<16xf32>
        %add3A_697 = arith.addf %add3A_515, %mul3A_696 : vector<16xf32>
        %mul3A_698 = arith.mulf %bitcast_convert_type3A_637, %get3A_695 : vector<16xf32>
        %add3A_699 = arith.addf %add3A_517, %mul3A_698 : vector<16xf32>
        %mul3A_700 = arith.mulf %bitcast_convert_type3A_658, %get3A_695 : vector<16xf32>
        %add3A_701 = arith.addf %add3A_519, %mul3A_700 : vector<16xf32>
        %mul3A_702 = arith.mulf %bitcast_convert_type3A_679, %get3A_695 : vector<16xf32>
        %add3A_703 = arith.addf %add3A_521, %mul3A_702 : vector<16xf32>
        %get3A_704 = arith.index_cast %scan3A_595 : i32 to index
        %get3A_705 = arith.constant 32 : index
        %get3A_706 = tpu.vector_load %arg10[%get3A_704, %get3A_705] {strides = array<i32>} : memref<64x128xf32, #tpu.memory_space<vmem>>, vector<1x16xf32>,
        %get3A_707 = vector.shape_cast %get3A_706 : vector<1x16xf32> to vector<16xf32>
        %mul3A_708 = arith.mulf %bitcast_convert_type3A_616, %get3A_707 : vector<16xf32>
        %add3A_709 = arith.addf %add3A_527, %mul3A_708 : vector<16xf32>
        %mul3A_710 = arith.mulf %bitcast_convert_type3A_637, %get3A_707 : vector<16xf32>
        %add3A_711 = arith.addf %add3A_529, %mul3A_710 : vector<16xf32>
        %mul3A_712 = arith.mulf %bitcast_convert_type3A_658, %get3A_707 : vector<16xf32>
        %add3A_713 = arith.addf %add3A_531, %mul3A_712 : vector<16xf32>
        %mul3A_714 = arith.mulf %bitcast_convert_type3A_679, %get3A_707 : vector<16xf32>
        %add3A_715 = arith.addf %add3A_533, %mul3A_714 : vector<16xf32>
        %get3A_716 = arith.index_cast %scan3A_595 : i32 to index
        %get3A_717 = arith.constant 48 : index
        %get3A_718 = tpu.vector_load %arg10[%get3A_716, %get3A_717] {strides = array<i32>} : memref<64x128xf32, #tpu.memory_space<vmem>>, vector<1x16xf32>,
        %get3A_719 = vector.shape_cast %get3A_718 : vector<1x16xf32> to vector<16xf32>
        %mul3A_720 = arith.mulf %bitcast_convert_type3A_616, %get3A_719 : vector<16xf32>
        %add3A_721 = arith.addf %add3A_539, %mul3A_720 : vector<16xf32>
        %mul3A_722 = arith.mulf %bitcast_convert_type3A_637, %get3A_719 : vector<16xf32>
        %add3A_723 = arith.addf %add3A_541, %mul3A_722 : vector<16xf32>
        %mul3A_724 = arith.mulf %bitcast_convert_type3A_658, %get3A_719 : vector<16xf32>
        %add3A_725 = arith.addf %add3A_543, %mul3A_724 : vector<16xf32>
        %mul3A_726 = arith.mulf %bitcast_convert_type3A_679, %get3A_719 : vector<16xf32>
        %add3A_727 = arith.addf %add3A_545, %mul3A_726 : vector<16xf32>
        %get3A_728 = arith.index_cast %scan3A_595 : i32 to index
        %get3A_729 = arith.constant 64 : index
        %get3A_730 = tpu.vector_load %arg10[%get3A_728, %get3A_729] {strides = array<i32>} : memref<64x128xf32, #tpu.memory_space<vmem>>, vector<1x16xf32>,
        %get3A_731 = vector.shape_cast %get3A_730 : vector<1x16xf32> to vector<16xf32>
        %mul3A_732 = arith.mulf %bitcast_convert_type3A_616, %get3A_731 : vector<16xf32>
        %add3A_733 = arith.addf %add3A_551, %mul3A_732 : vector<16xf32>
        %mul3A_734 = arith.mulf %bitcast_convert_type3A_637, %get3A_731 : vector<16xf32>
        %add3A_735 = arith.addf %add3A_553, %mul3A_734 : vector<16xf32>
        %mul3A_736 = arith.mulf %bitcast_convert_type3A_658, %get3A_731 : vector<16xf32>
        %add3A_737 = arith.addf %add3A_555, %mul3A_736 : vector<16xf32>
        %mul3A_738 = arith.mulf %bitcast_convert_type3A_679, %get3A_731 : vector<16xf32>
        %add3A_739 = arith.addf %add3A_557, %mul3A_738 : vector<16xf32>
        %get3A_740 = arith.index_cast %scan3A_595 : i32 to index
        %get3A_741 = arith.constant 80 : index
        %get3A_742 = tpu.vector_load %arg10[%get3A_740, %get3A_741] {strides = array<i32>} : memref<64x128xf32, #tpu.memory_space<vmem>>, vector<1x16xf32>,
        %get3A_743 = vector.shape_cast %get3A_742 : vector<1x16xf32> to vector<16xf32>
        %mul3A_744 = arith.mulf %bitcast_convert_type3A_616, %get3A_743 : vector<16xf32>
        %add3A_745 = arith.addf %add3A_563, %mul3A_744 : vector<16xf32>
        %mul3A_746 = arith.mulf %bitcast_convert_type3A_637, %get3A_743 : vector<16xf32>
        %add3A_747 = arith.addf %add3A_565, %mul3A_746 : vector<16xf32>
        %mul3A_748 = arith.mulf %bitcast_convert_type3A_658, %get3A_743 : vector<16xf32>
        %add3A_749 = arith.addf %add3A_567, %mul3A_748 : vector<16xf32>
        %mul3A_750 = arith.mulf %bitcast_convert_type3A_679, %get3A_743 : vector<16xf32>
        %add3A_751 = arith.addf %add3A_569, %mul3A_750 : vector<16xf32>
        %get3A_752 = arith.index_cast %scan3A_595 : i32 to index
        %get3A_753 = arith.constant 96 : index
        %get3A_754 = tpu.vector_load %arg10[%get3A_752, %get3A_753] {strides = array<i32>} : memref<64x128xf32, #tpu.memory_space<vmem>>, vector<1x16xf32>,
        %get3A_755 = vector.shape_cast %get3A_754 : vector<1x16xf32> to vector<16xf32>
        %mul3A_756 = arith.mulf %bitcast_convert_type3A_616, %get3A_755 : vector<16xf32>
        %add3A_757 = arith.addf %add3A_575, %mul3A_756 : vector<16xf32>
        %mul3A_758 = arith.mulf %bitcast_convert_type3A_637, %get3A_755 : vector<16xf32>
        %add3A_759 = arith.addf %add3A_577, %mul3A_758 : vector<16xf32>
        %mul3A_760 = arith.mulf %bitcast_convert_type3A_658, %get3A_755 : vector<16xf32>
        %add3A_761 = arith.addf %add3A_579, %mul3A_760 : vector<16xf32>
        %mul3A_762 = arith.mulf %bitcast_convert_type3A_679, %get3A_755 : vector<16xf32>
        %add3A_763 = arith.addf %add3A_581, %mul3A_762 : vector<16xf32>
        %get3A_764 = arith.index_cast %scan3A_595 : i32 to index
        %get3A_765 = arith.constant 112 : index
        %get3A_766 = tpu.vector_load %arg10[%get3A_764, %get3A_765] {strides = array<i32>} : memref<64x128xf32, #tpu.memory_space<vmem>>, vector<1x16xf32>,
        %get3A_767 = vector.shape_cast %get3A_766 : vector<1x16xf32> to vector<16xf32>
        %mul3A_768 = arith.mulf %bitcast_convert_type3A_616, %get3A_767 : vector<16xf32>
        %add3A_769 = arith.addf %add3A_587, %mul3A_768 : vector<16xf32>
        %mul3A_770 = arith.mulf %bitcast_convert_type3A_637, %get3A_767 : vector<16xf32>
        %add3A_771 = arith.addf %add3A_589, %mul3A_770 : vector<16xf32>
        %mul3A_772 = arith.mulf %bitcast_convert_type3A_658, %get3A_767 : vector<16xf32>
        %add3A_773 = arith.addf %add3A_591, %mul3A_772 : vector<16xf32>
        %mul3A_774 = arith.mulf %bitcast_convert_type3A_679, %get3A_767 : vector<16xf32>
        %add3A_775 = arith.addf %add3A_593, %mul3A_774 : vector<16xf32>
        %scan3A_776 = arith.constant 2 : i32
        %scan3A_777 = arith.addi %scan3A_383, %scan3A_776 : i32
        %add3A_778 = arith.constant 0 : i32
        %add3A_779 = arith.addi %mul3A_43, %add3A_778 : i32
        %get3A_780 = arith.index_cast %scan3A_777 : i32 to index
        %get3A_781 = arith.index_cast %add3A_779 : i32 to index
        %get3A_782 = tpu.vector_load %arg8[%get3A_780, %get3A_781] {strides = array<i32>} : memref<64x1024xf32, #tpu.memory_space<vmem>>, vector<1x16xf32>,
        %get3A_783 = vector.shape_cast %get3A_782 : vector<1x16xf32> to vector<16xf32>
        %bitcast_convert_type3A_784 = tpu.bitcast %get3A_783 : vector<16xf32> -> vector<16xi32>
        %shift_right_logical3A_785 = arith.constant 16 : i32
        %shift_right_logical3A_786 = vector.broadcast %shift_right_logical3A_785 : i32 to vector<16xi32>
        %shift_right_logical3A_787 = arith.shrui %bitcast_convert_type3A_784, %shift_right_logical3A_786 : vector<16xi32>
        %and3A_788 = arith.constant 1 : i32
        %and3A_789 = vector.broadcast %and3A_788 : i32 to vector<16xi32>
        %and3A_790 = arith.andi %shift_right_logical3A_787, %and3A_789 : vector<16xi32>
        %add3A_791 = arith.constant 32767 : i32
        %add3A_792 = vector.broadcast %add3A_791 : i32 to vector<16xi32>
        %add3A_793 = arith.addi %bitcast_convert_type3A_784, %add3A_792 : vector<16xi32>
        %add3A_794 = arith.addi %add3A_793, %and3A_790 : vector<16xi32>
        %and3A_795 = arith.constant -65536 : i32
        %and3A_796 = vector.broadcast %and3A_795 : i32 to vector<16xi32>
        %and3A_797 = arith.andi %add3A_794, %and3A_796 : vector<16xi32>
        %bitcast_convert_type3A_798 = tpu.bitcast %and3A_797 : vector<16xi32> -> vector<16xf32>
        %add3A_799 = arith.constant 16 : i32
        %add3A_800 = arith.addi %mul3A_43, %add3A_799 : i32
        %get3A_801 = arith.index_cast %scan3A_777 : i32 to index
        %get3A_802 = arith.index_cast %add3A_800 : i32 to index
        %get3A_803 = tpu.vector_load %arg8[%get3A_801, %get3A_802] {strides = array<i32>} : memref<64x1024xf32, #tpu.memory_space<vmem>>, vector<1x16xf32>,
        %get3A_804 = vector.shape_cast %get3A_803 : vector<1x16xf32> to vector<16xf32>
        %bitcast_convert_type3A_805 = tpu.bitcast %get3A_804 : vector<16xf32> -> vector<16xi32>
        %shift_right_logical3A_806 = arith.constant 16 : i32
        %shift_right_logical3A_807 = vector.broadcast %shift_right_logical3A_806 : i32 to vector<16xi32>
        %shift_right_logical3A_808 = arith.shrui %bitcast_convert_type3A_805, %shift_right_logical3A_807 : vector<16xi32>
        %and3A_809 = arith.constant 1 : i32
        %and3A_810 = vector.broadcast %and3A_809 : i32 to vector<16xi32>
        %and3A_811 = arith.andi %shift_right_logical3A_808, %and3A_810 : vector<16xi32>
        %add3A_812 = arith.constant 32767 : i32
        %add3A_813 = vector.broadcast %add3A_812 : i32 to vector<16xi32>
        %add3A_814 = arith.addi %bitcast_convert_type3A_805, %add3A_813 : vector<16xi32>
        %add3A_815 = arith.addi %add3A_814, %and3A_811 : vector<16xi32>
        %and3A_816 = arith.constant -65536 : i32
        %and3A_817 = vector.broadcast %and3A_816 : i32 to vector<16xi32>
        %and3A_818 = arith.andi %add3A_815, %and3A_817 : vector<16xi32>
        %bitcast_convert_type3A_819 = tpu.bitcast %and3A_818 : vector<16xi32> -> vector<16xf32>
        %add3A_820 = arith.constant 32 : i32
        %add3A_821 = arith.addi %mul3A_43, %add3A_820 : i32
        %get3A_822 = arith.index_cast %scan3A_777 : i32 to index
        %get3A_823 = arith.index_cast %add3A_821 : i32 to index
        %get3A_824 = tpu.vector_load %arg8[%get3A_822, %get3A_823] {strides = array<i32>} : memref<64x1024xf32, #tpu.memory_space<vmem>>, vector<1x16xf32>,
        %get3A_825 = vector.shape_cast %get3A_824 : vector<1x16xf32> to vector<16xf32>
        %bitcast_convert_type3A_826 = tpu.bitcast %get3A_825 : vector<16xf32> -> vector<16xi32>
        %shift_right_logical3A_827 = arith.constant 16 : i32
        %shift_right_logical3A_828 = vector.broadcast %shift_right_logical3A_827 : i32 to vector<16xi32>
        %shift_right_logical3A_829 = arith.shrui %bitcast_convert_type3A_826, %shift_right_logical3A_828 : vector<16xi32>
        %and3A_830 = arith.constant 1 : i32
        %and3A_831 = vector.broadcast %and3A_830 : i32 to vector<16xi32>
        %and3A_832 = arith.andi %shift_right_logical3A_829, %and3A_831 : vector<16xi32>
        %add3A_833 = arith.constant 32767 : i32
        %add3A_834 = vector.broadcast %add3A_833 : i32 to vector<16xi32>
        %add3A_835 = arith.addi %bitcast_convert_type3A_826, %add3A_834 : vector<16xi32>
        %add3A_836 = arith.addi %add3A_835, %and3A_832 : vector<16xi32>
        %and3A_837 = arith.constant -65536 : i32
        %and3A_838 = vector.broadcast %and3A_837 : i32 to vector<16xi32>
        %and3A_839 = arith.andi %add3A_836, %and3A_838 : vector<16xi32>
        %bitcast_convert_type3A_840 = tpu.bitcast %and3A_839 : vector<16xi32> -> vector<16xf32>
        %add3A_841 = arith.constant 48 : i32
        %add3A_842 = arith.addi %mul3A_43, %add3A_841 : i32
        %get3A_843 = arith.index_cast %scan3A_777 : i32 to index
        %get3A_844 = arith.index_cast %add3A_842 : i32 to index
        %get3A_845 = tpu.vector_load %arg8[%get3A_843, %get3A_844] {strides = array<i32>} : memref<64x1024xf32, #tpu.memory_space<vmem>>, vector<1x16xf32>,
        %get3A_846 = vector.shape_cast %get3A_845 : vector<1x16xf32> to vector<16xf32>
        %bitcast_convert_type3A_847 = tpu.bitcast %get3A_846 : vector<16xf32> -> vector<16xi32>
        %shift_right_logical3A_848 = arith.constant 16 : i32
        %shift_right_logical3A_849 = vector.broadcast %shift_right_logical3A_848 : i32 to vector<16xi32>
        %shift_right_logical3A_850 = arith.shrui %bitcast_convert_type3A_847, %shift_right_logical3A_849 : vector<16xi32>
        %and3A_851 = arith.constant 1 : i32
        %and3A_852 = vector.broadcast %and3A_851 : i32 to vector<16xi32>
        %and3A_853 = arith.andi %shift_right_logical3A_850, %and3A_852 : vector<16xi32>
        %add3A_854 = arith.constant 32767 : i32
        %add3A_855 = vector.broadcast %add3A_854 : i32 to vector<16xi32>
        %add3A_856 = arith.addi %bitcast_convert_type3A_847, %add3A_855 : vector<16xi32>
        %add3A_857 = arith.addi %add3A_856, %and3A_853 : vector<16xi32>
        %and3A_858 = arith.constant -65536 : i32
        %and3A_859 = vector.broadcast %and3A_858 : i32 to vector<16xi32>
        %and3A_860 = arith.andi %add3A_857, %and3A_859 : vector<16xi32>
        %bitcast_convert_type3A_861 = tpu.bitcast %and3A_860 : vector<16xi32> -> vector<16xf32>
        %get3A_862 = arith.index_cast %scan3A_777 : i32 to index
        %get3A_863 = arith.constant 0 : index
        %get3A_864 = tpu.vector_load %arg10[%get3A_862, %get3A_863] {strides = array<i32>} : memref<64x128xf32, #tpu.memory_space<vmem>>, vector<1x16xf32>,
        %get3A_865 = vector.shape_cast %get3A_864 : vector<1x16xf32> to vector<16xf32>
        %mul3A_866 = arith.mulf %bitcast_convert_type3A_798, %get3A_865 : vector<16xf32>
        %add3A_867 = arith.addf %add3A_685, %mul3A_866 : vector<16xf32>
        %mul3A_868 = arith.mulf %bitcast_convert_type3A_819, %get3A_865 : vector<16xf32>
        %add3A_869 = arith.addf %add3A_687, %mul3A_868 : vector<16xf32>
        %mul3A_870 = arith.mulf %bitcast_convert_type3A_840, %get3A_865 : vector<16xf32>
        %add3A_871 = arith.addf %add3A_689, %mul3A_870 : vector<16xf32>
        %mul3A_872 = arith.mulf %bitcast_convert_type3A_861, %get3A_865 : vector<16xf32>
        %add3A_873 = arith.addf %add3A_691, %mul3A_872 : vector<16xf32>
        %get3A_874 = arith.index_cast %scan3A_777 : i32 to index
        %get3A_875 = arith.constant 16 : index
        %get3A_876 = tpu.vector_load %arg10[%get3A_874, %get3A_875] {strides = array<i32>} : memref<64x128xf32, #tpu.memory_space<vmem>>, vector<1x16xf32>,
        %get3A_877 = vector.shape_cast %get3A_876 : vector<1x16xf32> to vector<16xf32>
        %mul3A_878 = arith.mulf %bitcast_convert_type3A_798, %get3A_877 : vector<16xf32>
        %add3A_879 = arith.addf %add3A_697, %mul3A_878 : vector<16xf32>
        %mul3A_880 = arith.mulf %bitcast_convert_type3A_819, %get3A_877 : vector<16xf32>
        %add3A_881 = arith.addf %add3A_699, %mul3A_880 : vector<16xf32>
        %mul3A_882 = arith.mulf %bitcast_convert_type3A_840, %get3A_877 : vector<16xf32>
        %add3A_883 = arith.addf %add3A_701, %mul3A_882 : vector<16xf32>
        %mul3A_884 = arith.mulf %bitcast_convert_type3A_861, %get3A_877 : vector<16xf32>
        %add3A_885 = arith.addf %add3A_703, %mul3A_884 : vector<16xf32>
        %get3A_886 = arith.index_cast %scan3A_777 : i32 to index
        %get3A_887 = arith.constant 32 : index
        %get3A_888 = tpu.vector_load %arg10[%get3A_886, %get3A_887] {strides = array<i32>} : memref<64x128xf32, #tpu.memory_space<vmem>>, vector<1x16xf32>,
        %get3A_889 = vector.shape_cast %get3A_888 : vector<1x16xf32> to vector<16xf32>
        %mul3A_890 = arith.mulf %bitcast_convert_type3A_798, %get3A_889 : vector<16xf32>
        %add3A_891 = arith.addf %add3A_709, %mul3A_890 : vector<16xf32>
        %mul3A_892 = arith.mulf %bitcast_convert_type3A_819, %get3A_889 : vector<16xf32>
        %add3A_893 = arith.addf %add3A_711, %mul3A_892 : vector<16xf32>
        %mul3A_894 = arith.mulf %bitcast_convert_type3A_840, %get3A_889 : vector<16xf32>
        %add3A_895 = arith.addf %add3A_713, %mul3A_894 : vector<16xf32>
        %mul3A_896 = arith.mulf %bitcast_convert_type3A_861, %get3A_889 : vector<16xf32>
        %add3A_897 = arith.addf %add3A_715, %mul3A_896 : vector<16xf32>
        %get3A_898 = arith.index_cast %scan3A_777 : i32 to index
        %get3A_899 = arith.constant 48 : index
        %get3A_900 = tpu.vector_load %arg10[%get3A_898, %get3A_899] {strides = array<i32>} : memref<64x128xf32, #tpu.memory_space<vmem>>, vector<1x16xf32>,
        %get3A_901 = vector.shape_cast %get3A_900 : vector<1x16xf32> to vector<16xf32>
        %mul3A_902 = arith.mulf %bitcast_convert_type3A_798, %get3A_901 : vector<16xf32>
        %add3A_903 = arith.addf %add3A_721, %mul3A_902 : vector<16xf32>
        %mul3A_904 = arith.mulf %bitcast_convert_type3A_819, %get3A_901 : vector<16xf32>
        %add3A_905 = arith.addf %add3A_723, %mul3A_904 : vector<16xf32>
        %mul3A_906 = arith.mulf %bitcast_convert_type3A_840, %get3A_901 : vector<16xf32>
        %add3A_907 = arith.addf %add3A_725, %mul3A_906 : vector<16xf32>
        %mul3A_908 = arith.mulf %bitcast_convert_type3A_861, %get3A_901 : vector<16xf32>
        %add3A_909 = arith.addf %add3A_727, %mul3A_908 : vector<16xf32>
        %get3A_910 = arith.index_cast %scan3A_777 : i32 to index
        %get3A_911 = arith.constant 64 : index
        %get3A_912 = tpu.vector_load %arg10[%get3A_910, %get3A_911] {strides = array<i32>} : memref<64x128xf32, #tpu.memory_space<vmem>>, vector<1x16xf32>,
        %get3A_913 = vector.shape_cast %get3A_912 : vector<1x16xf32> to vector<16xf32>
        %mul3A_914 = arith.mulf %bitcast_convert_type3A_798, %get3A_913 : vector<16xf32>
        %add3A_915 = arith.addf %add3A_733, %mul3A_914 : vector<16xf32>
        %mul3A_916 = arith.mulf %bitcast_convert_type3A_819, %get3A_913 : vector<16xf32>
        %add3A_917 = arith.addf %add3A_735, %mul3A_916 : vector<16xf32>
        %mul3A_918 = arith.mulf %bitcast_convert_type3A_840, %get3A_913 : vector<16xf32>
        %add3A_919 = arith.addf %add3A_737, %mul3A_918 : vector<16xf32>
        %mul3A_920 = arith.mulf %bitcast_convert_type3A_861, %get3A_913 : vector<16xf32>
        %add3A_921 = arith.addf %add3A_739, %mul3A_920 : vector<16xf32>
        %get3A_922 = arith.index_cast %scan3A_777 : i32 to index
        %get3A_923 = arith.constant 80 : index
        %get3A_924 = tpu.vector_load %arg10[%get3A_922, %get3A_923] {strides = array<i32>} : memref<64x128xf32, #tpu.memory_space<vmem>>, vector<1x16xf32>,
        %get3A_925 = vector.shape_cast %get3A_924 : vector<1x16xf32> to vector<16xf32>
        %mul3A_926 = arith.mulf %bitcast_convert_type3A_798, %get3A_925 : vector<16xf32>
        %add3A_927 = arith.addf %add3A_745, %mul3A_926 : vector<16xf32>
        %mul3A_928 = arith.mulf %bitcast_convert_type3A_819, %get3A_925 : vector<16xf32>
        %add3A_929 = arith.addf %add3A_747, %mul3A_928 : vector<16xf32>
        %mul3A_930 = arith.mulf %bitcast_convert_type3A_840, %get3A_925 : vector<16xf32>
        %add3A_931 = arith.addf %add3A_749, %mul3A_930 : vector<16xf32>
        %mul3A_932 = arith.mulf %bitcast_convert_type3A_861, %get3A_925 : vector<16xf32>
        %add3A_933 = arith.addf %add3A_751, %mul3A_932 : vector<16xf32>
        %get3A_934 = arith.index_cast %scan3A_777 : i32 to index
        %get3A_935 = arith.constant 96 : index
        %get3A_936 = tpu.vector_load %arg10[%get3A_934, %get3A_935] {strides = array<i32>} : memref<64x128xf32, #tpu.memory_space<vmem>>, vector<1x16xf32>,
        %get3A_937 = vector.shape_cast %get3A_936 : vector<1x16xf32> to vector<16xf32>
        %mul3A_938 = arith.mulf %bitcast_convert_type3A_798, %get3A_937 : vector<16xf32>
        %add3A_939 = arith.addf %add3A_757, %mul3A_938 : vector<16xf32>
        %mul3A_940 = arith.mulf %bitcast_convert_type3A_819, %get3A_937 : vector<16xf32>
        %add3A_941 = arith.addf %add3A_759, %mul3A_940 : vector<16xf32>
        %mul3A_942 = arith.mulf %bitcast_convert_type3A_840, %get3A_937 : vector<16xf32>
        %add3A_943 = arith.addf %add3A_761, %mul3A_942 : vector<16xf32>
        %mul3A_944 = arith.mulf %bitcast_convert_type3A_861, %get3A_937 : vector<16xf32>
        %add3A_945 = arith.addf %add3A_763, %mul3A_944 : vector<16xf32>
        %get3A_946 = arith.index_cast %scan3A_777 : i32 to index
        %get3A_947 = arith.constant 112 : index
        %get3A_948 = tpu.vector_load %arg10[%get3A_946, %get3A_947] {strides = array<i32>} : memref<64x128xf32, #tpu.memory_space<vmem>>, vector<1x16xf32>,
        %get3A_949 = vector.shape_cast %get3A_948 : vector<1x16xf32> to vector<16xf32>
        %mul3A_950 = arith.mulf %bitcast_convert_type3A_798, %get3A_949 : vector<16xf32>
        %add3A_951 = arith.addf %add3A_769, %mul3A_950 : vector<16xf32>
        %mul3A_952 = arith.mulf %bitcast_convert_type3A_819, %get3A_949 : vector<16xf32>
        %add3A_953 = arith.addf %add3A_771, %mul3A_952 : vector<16xf32>
        %mul3A_954 = arith.mulf %bitcast_convert_type3A_840, %get3A_949 : vector<16xf32>
        %add3A_955 = arith.addf %add3A_773, %mul3A_954 : vector<16xf32>
        %mul3A_956 = arith.mulf %bitcast_convert_type3A_861, %get3A_949 : vector<16xf32>
        %add3A_957 = arith.addf %add3A_775, %mul3A_956 : vector<16xf32>
        %scan3A_958 = arith.constant 3 : i32
        %scan3A_959 = arith.addi %scan3A_383, %scan3A_958 : i32
        %add3A_960 = arith.constant 0 : i32
        %add3A_961 = arith.addi %mul3A_43, %add3A_960 : i32
        %get3A_962 = arith.index_cast %scan3A_959 : i32 to index
        %get3A_963 = arith.index_cast %add3A_961 : i32 to index
        %get3A_964 = tpu.vector_load %arg8[%get3A_962, %get3A_963] {strides = array<i32>} : memref<64x1024xf32, #tpu.memory_space<vmem>>, vector<1x16xf32>,
        %get3A_965 = vector.shape_cast %get3A_964 : vector<1x16xf32> to vector<16xf32>
        %bitcast_convert_type3A_966 = tpu.bitcast %get3A_965 : vector<16xf32> -> vector<16xi32>
        %shift_right_logical3A_967 = arith.constant 16 : i32
        %shift_right_logical3A_968 = vector.broadcast %shift_right_logical3A_967 : i32 to vector<16xi32>
        %shift_right_logical3A_969 = arith.shrui %bitcast_convert_type3A_966, %shift_right_logical3A_968 : vector<16xi32>
        %and3A_970 = arith.constant 1 : i32
        %and3A_971 = vector.broadcast %and3A_970 : i32 to vector<16xi32>
        %and3A_972 = arith.andi %shift_right_logical3A_969, %and3A_971 : vector<16xi32>
        %add3A_973 = arith.constant 32767 : i32
        %add3A_974 = vector.broadcast %add3A_973 : i32 to vector<16xi32>
        %add3A_975 = arith.addi %bitcast_convert_type3A_966, %add3A_974 : vector<16xi32>
        %add3A_976 = arith.addi %add3A_975, %and3A_972 : vector<16xi32>
        %and3A_977 = arith.constant -65536 : i32
        %and3A_978 = vector.broadcast %and3A_977 : i32 to vector<16xi32>
        %and3A_979 = arith.andi %add3A_976, %and3A_978 : vector<16xi32>
        %bitcast_convert_type3A_980 = tpu.bitcast %and3A_979 : vector<16xi32> -> vector<16xf32>
        %add3A_981 = arith.constant 16 : i32
        %add3A_982 = arith.addi %mul3A_43, %add3A_981 : i32
        %get3A_983 = arith.index_cast %scan3A_959 : i32 to index
        %get3A_984 = arith.index_cast %add3A_982 : i32 to index
        %get3A_985 = tpu.vector_load %arg8[%get3A_983, %get3A_984] {strides = array<i32>} : memref<64x1024xf32, #tpu.memory_space<vmem>>, vector<1x16xf32>,
        %get3A_986 = vector.shape_cast %get3A_985 : vector<1x16xf32> to vector<16xf32>
        %bitcast_convert_type3A_987 = tpu.bitcast %get3A_986 : vector<16xf32> -> vector<16xi32>
        %shift_right_logical3A_988 = arith.constant 16 : i32
        %shift_right_logical3A_989 = vector.broadcast %shift_right_logical3A_988 : i32 to vector<16xi32>
        %shift_right_logical3A_990 = arith.shrui %bitcast_convert_type3A_987, %shift_right_logical3A_989 : vector<16xi32>
        %and3A_991 = arith.constant 1 : i32
        %and3A_992 = vector.broadcast %and3A_991 : i32 to vector<16xi32>
        %and3A_993 = arith.andi %shift_right_logical3A_990, %and3A_992 : vector<16xi32>
        %add3A_994 = arith.constant 32767 : i32
        %add3A_995 = vector.broadcast %add3A_994 : i32 to vector<16xi32>
        %add3A_996 = arith.addi %bitcast_convert_type3A_987, %add3A_995 : vector<16xi32>
        %add3A_997 = arith.addi %add3A_996, %and3A_993 : vector<16xi32>
        %and3A_998 = arith.constant -65536 : i32
        %and3A_999 = vector.broadcast %and3A_998 : i32 to vector<16xi32>
        %and3A_1000 = arith.andi %add3A_997, %and3A_999 : vector<16xi32>
        %bitcast_convert_type3A_1001 = tpu.bitcast %and3A_1000 : vector<16xi32> -> vector<16xf32>
        %add3A_1002 = arith.constant 32 : i32
        %add3A_1003 = arith.addi %mul3A_43, %add3A_1002 : i32
        %get3A_1004 = arith.index_cast %scan3A_959 : i32 to index
        %get3A_1005 = arith.index_cast %add3A_1003 : i32 to index
        %get3A_1006 = tpu.vector_load %arg8[%get3A_1004, %get3A_1005] {strides = array<i32>} : memref<64x1024xf32, #tpu.memory_space<vmem>>, vector<1x16xf32>,
        %get3A_1007 = vector.shape_cast %get3A_1006 : vector<1x16xf32> to vector<16xf32>
        %bitcast_convert_type3A_1008 = tpu.bitcast %get3A_1007 : vector<16xf32> -> vector<16xi32>
        %shift_right_logical3A_1009 = arith.constant 16 : i32
        %shift_right_logical3A_1010 = vector.broadcast %shift_right_logical3A_1009 : i32 to vector<16xi32>
        %shift_right_logical3A_1011 = arith.shrui %bitcast_convert_type3A_1008, %shift_right_logical3A_1010 : vector<16xi32>
        %and3A_1012 = arith.constant 1 : i32
        %and3A_1013 = vector.broadcast %and3A_1012 : i32 to vector<16xi32>
        %and3A_1014 = arith.andi %shift_right_logical3A_1011, %and3A_1013 : vector<16xi32>
        %add3A_1015 = arith.constant 32767 : i32
        %add3A_1016 = vector.broadcast %add3A_1015 : i32 to vector<16xi32>
        %add3A_1017 = arith.addi %bitcast_convert_type3A_1008, %add3A_1016 : vector<16xi32>
        %add3A_1018 = arith.addi %add3A_1017, %and3A_1014 : vector<16xi32>
        %and3A_1019 = arith.constant -65536 : i32
        %and3A_1020 = vector.broadcast %and3A_1019 : i32 to vector<16xi32>
        %and3A_1021 = arith.andi %add3A_1018, %and3A_1020 : vector<16xi32>
        %bitcast_convert_type3A_1022 = tpu.bitcast %and3A_1021 : vector<16xi32> -> vector<16xf32>
        %add3A_1023 = arith.constant 48 : i32
        %add3A_1024 = arith.addi %mul3A_43, %add3A_1023 : i32
        %get3A_1025 = arith.index_cast %scan3A_959 : i32 to index
        %get3A_1026 = arith.index_cast %add3A_1024 : i32 to index
        %get3A_1027 = tpu.vector_load %arg8[%get3A_1025, %get3A_1026] {strides = array<i32>} : memref<64x1024xf32, #tpu.memory_space<vmem>>, vector<1x16xf32>,
        %get3A_1028 = vector.shape_cast %get3A_1027 : vector<1x16xf32> to vector<16xf32>
        %bitcast_convert_type3A_1029 = tpu.bitcast %get3A_1028 : vector<16xf32> -> vector<16xi32>
        %shift_right_logical3A_1030 = arith.constant 16 : i32
        %shift_right_logical3A_1031 = vector.broadcast %shift_right_logical3A_1030 : i32 to vector<16xi32>
        %shift_right_logical3A_1032 = arith.shrui %bitcast_convert_type3A_1029, %shift_right_logical3A_1031 : vector<16xi32>
        %and3A_1033 = arith.constant 1 : i32
        %and3A_1034 = vector.broadcast %and3A_1033 : i32 to vector<16xi32>
        %and3A_1035 = arith.andi %shift_right_logical3A_1032, %and3A_1034 : vector<16xi32>
        %add3A_1036 = arith.constant 32767 : i32
        %add3A_1037 = vector.broadcast %add3A_1036 : i32 to vector<16xi32>
        %add3A_1038 = arith.addi %bitcast_convert_type3A_1029, %add3A_1037 : vector<16xi32>
        %add3A_1039 = arith.addi %add3A_1038, %and3A_1035 : vector<16xi32>
        %and3A_1040 = arith.constant -65536 : i32
        %and3A_1041 = vector.broadcast %and3A_1040 : i32 to vector<16xi32>
        %and3A_1042 = arith.andi %add3A_1039, %and3A_1041 : vector<16xi32>
        %bitcast_convert_type3A_1043 = tpu.bitcast %and3A_1042 : vector<16xi32> -> vector<16xf32>
        %get3A_1044 = arith.index_cast %scan3A_959 : i32 to index
        %get3A_1045 = arith.constant 0 : index
        %get3A_1046 = tpu.vector_load %arg10[%get3A_1044, %get3A_1045] {strides = array<i32>} : memref<64x128xf32, #tpu.memory_space<vmem>>, vector<1x16xf32>,
        %get3A_1047 = vector.shape_cast %get3A_1046 : vector<1x16xf32> to vector<16xf32>
        %mul3A_1048 = arith.mulf %bitcast_convert_type3A_980, %get3A_1047 : vector<16xf32>
        %add3A_1049 = arith.addf %add3A_867, %mul3A_1048 : vector<16xf32>
        %mul3A_1050 = arith.mulf %bitcast_convert_type3A_1001, %get3A_1047 : vector<16xf32>
        %add3A_1051 = arith.addf %add3A_869, %mul3A_1050 : vector<16xf32>
        %mul3A_1052 = arith.mulf %bitcast_convert_type3A_1022, %get3A_1047 : vector<16xf32>
        %add3A_1053 = arith.addf %add3A_871, %mul3A_1052 : vector<16xf32>
        %mul3A_1054 = arith.mulf %bitcast_convert_type3A_1043, %get3A_1047 : vector<16xf32>
        %add3A_1055 = arith.addf %add3A_873, %mul3A_1054 : vector<16xf32>
        %get3A_1056 = arith.index_cast %scan3A_959 : i32 to index
        %get3A_1057 = arith.constant 16 : index
        %get3A_1058 = tpu.vector_load %arg10[%get3A_1056, %get3A_1057] {strides = array<i32>} : memref<64x128xf32, #tpu.memory_space<vmem>>, vector<1x16xf32>,
        %get3A_1059 = vector.shape_cast %get3A_1058 : vector<1x16xf32> to vector<16xf32>
        %mul3A_1060 = arith.mulf %bitcast_convert_type3A_980, %get3A_1059 : vector<16xf32>
        %add3A_1061 = arith.addf %add3A_879, %mul3A_1060 : vector<16xf32>
        %mul3A_1062 = arith.mulf %bitcast_convert_type3A_1001, %get3A_1059 : vector<16xf32>
        %add3A_1063 = arith.addf %add3A_881, %mul3A_1062 : vector<16xf32>
        %mul3A_1064 = arith.mulf %bitcast_convert_type3A_1022, %get3A_1059 : vector<16xf32>
        %add3A_1065 = arith.addf %add3A_883, %mul3A_1064 : vector<16xf32>
        %mul3A_1066 = arith.mulf %bitcast_convert_type3A_1043, %get3A_1059 : vector<16xf32>
        %add3A_1067 = arith.addf %add3A_885, %mul3A_1066 : vector<16xf32>
        %get3A_1068 = arith.index_cast %scan3A_959 : i32 to index
        %get3A_1069 = arith.constant 32 : index
        %get3A_1070 = tpu.vector_load %arg10[%get3A_1068, %get3A_1069] {strides = array<i32>} : memref<64x128xf32, #tpu.memory_space<vmem>>, vector<1x16xf32>,
        %get3A_1071 = vector.shape_cast %get3A_1070 : vector<1x16xf32> to vector<16xf32>
        %mul3A_1072 = arith.mulf %bitcast_convert_type3A_980, %get3A_1071 : vector<16xf32>
        %add3A_1073 = arith.addf %add3A_891, %mul3A_1072 : vector<16xf32>
        %mul3A_1074 = arith.mulf %bitcast_convert_type3A_1001, %get3A_1071 : vector<16xf32>
        %add3A_1075 = arith.addf %add3A_893, %mul3A_1074 : vector<16xf32>
        %mul3A_1076 = arith.mulf %bitcast_convert_type3A_1022, %get3A_1071 : vector<16xf32>
        %add3A_1077 = arith.addf %add3A_895, %mul3A_1076 : vector<16xf32>
        %mul3A_1078 = arith.mulf %bitcast_convert_type3A_1043, %get3A_1071 : vector<16xf32>
        %add3A_1079 = arith.addf %add3A_897, %mul3A_1078 : vector<16xf32>
        %get3A_1080 = arith.index_cast %scan3A_959 : i32 to index
        %get3A_1081 = arith.constant 48 : index
        %get3A_1082 = tpu.vector_load %arg10[%get3A_1080, %get3A_1081] {strides = array<i32>} : memref<64x128xf32, #tpu.memory_space<vmem>>, vector<1x16xf32>,
        %get3A_1083 = vector.shape_cast %get3A_1082 : vector<1x16xf32> to vector<16xf32>
        %mul3A_1084 = arith.mulf %bitcast_convert_type3A_980, %get3A_1083 : vector<16xf32>
        %add3A_1085 = arith.addf %add3A_903, %mul3A_1084 : vector<16xf32>
        %mul3A_1086 = arith.mulf %bitcast_convert_type3A_1001, %get3A_1083 : vector<16xf32>
        %add3A_1087 = arith.addf %add3A_905, %mul3A_1086 : vector<16xf32>
        %mul3A_1088 = arith.mulf %bitcast_convert_type3A_1022, %get3A_1083 : vector<16xf32>
        %add3A_1089 = arith.addf %add3A_907, %mul3A_1088 : vector<16xf32>
        %mul3A_1090 = arith.mulf %bitcast_convert_type3A_1043, %get3A_1083 : vector<16xf32>
        %add3A_1091 = arith.addf %add3A_909, %mul3A_1090 : vector<16xf32>
        %get3A_1092 = arith.index_cast %scan3A_959 : i32 to index
        %get3A_1093 = arith.constant 64 : index
        %get3A_1094 = tpu.vector_load %arg10[%get3A_1092, %get3A_1093] {strides = array<i32>} : memref<64x128xf32, #tpu.memory_space<vmem>>, vector<1x16xf32>,
        %get3A_1095 = vector.shape_cast %get3A_1094 : vector<1x16xf32> to vector<16xf32>
        %mul3A_1096 = arith.mulf %bitcast_convert_type3A_980, %get3A_1095 : vector<16xf32>
        %add3A_1097 = arith.addf %add3A_915, %mul3A_1096 : vector<16xf32>
        %mul3A_1098 = arith.mulf %bitcast_convert_type3A_1001, %get3A_1095 : vector<16xf32>
        %add3A_1099 = arith.addf %add3A_917, %mul3A_1098 : vector<16xf32>
        %mul3A_1100 = arith.mulf %bitcast_convert_type3A_1022, %get3A_1095 : vector<16xf32>
        %add3A_1101 = arith.addf %add3A_919, %mul3A_1100 : vector<16xf32>
        %mul3A_1102 = arith.mulf %bitcast_convert_type3A_1043, %get3A_1095 : vector<16xf32>
        %add3A_1103 = arith.addf %add3A_921, %mul3A_1102 : vector<16xf32>
        %get3A_1104 = arith.index_cast %scan3A_959 : i32 to index
        %get3A_1105 = arith.constant 80 : index
        %get3A_1106 = tpu.vector_load %arg10[%get3A_1104, %get3A_1105] {strides = array<i32>} : memref<64x128xf32, #tpu.memory_space<vmem>>, vector<1x16xf32>,
        %get3A_1107 = vector.shape_cast %get3A_1106 : vector<1x16xf32> to vector<16xf32>
        %mul3A_1108 = arith.mulf %bitcast_convert_type3A_980, %get3A_1107 : vector<16xf32>
        %add3A_1109 = arith.addf %add3A_927, %mul3A_1108 : vector<16xf32>
        %mul3A_1110 = arith.mulf %bitcast_convert_type3A_1001, %get3A_1107 : vector<16xf32>
        %add3A_1111 = arith.addf %add3A_929, %mul3A_1110 : vector<16xf32>
        %mul3A_1112 = arith.mulf %bitcast_convert_type3A_1022, %get3A_1107 : vector<16xf32>
        %add3A_1113 = arith.addf %add3A_931, %mul3A_1112 : vector<16xf32>
        %mul3A_1114 = arith.mulf %bitcast_convert_type3A_1043, %get3A_1107 : vector<16xf32>
        %add3A_1115 = arith.addf %add3A_933, %mul3A_1114 : vector<16xf32>
        %get3A_1116 = arith.index_cast %scan3A_959 : i32 to index
        %get3A_1117 = arith.constant 96 : index
        %get3A_1118 = tpu.vector_load %arg10[%get3A_1116, %get3A_1117] {strides = array<i32>} : memref<64x128xf32, #tpu.memory_space<vmem>>, vector<1x16xf32>,
        %get3A_1119 = vector.shape_cast %get3A_1118 : vector<1x16xf32> to vector<16xf32>
        %mul3A_1120 = arith.mulf %bitcast_convert_type3A_980, %get3A_1119 : vector<16xf32>
        %add3A_1121 = arith.addf %add3A_939, %mul3A_1120 : vector<16xf32>
        %mul3A_1122 = arith.mulf %bitcast_convert_type3A_1001, %get3A_1119 : vector<16xf32>
        %add3A_1123 = arith.addf %add3A_941, %mul3A_1122 : vector<16xf32>
        %mul3A_1124 = arith.mulf %bitcast_convert_type3A_1022, %get3A_1119 : vector<16xf32>
        %add3A_1125 = arith.addf %add3A_943, %mul3A_1124 : vector<16xf32>
        %mul3A_1126 = arith.mulf %bitcast_convert_type3A_1043, %get3A_1119 : vector<16xf32>
        %add3A_1127 = arith.addf %add3A_945, %mul3A_1126 : vector<16xf32>
        %get3A_1128 = arith.index_cast %scan3A_959 : i32 to index
        %get3A_1129 = arith.constant 112 : index
        %get3A_1130 = tpu.vector_load %arg10[%get3A_1128, %get3A_1129] {strides = array<i32>} : memref<64x128xf32, #tpu.memory_space<vmem>>, vector<1x16xf32>,
        %get3A_1131 = vector.shape_cast %get3A_1130 : vector<1x16xf32> to vector<16xf32>
        %mul3A_1132 = arith.mulf %bitcast_convert_type3A_980, %get3A_1131 : vector<16xf32>
        %add3A_1133 = arith.addf %add3A_951, %mul3A_1132 : vector<16xf32>
        %mul3A_1134 = arith.mulf %bitcast_convert_type3A_1001, %get3A_1131 : vector<16xf32>
        %add3A_1135 = arith.addf %add3A_953, %mul3A_1134 : vector<16xf32>
        %mul3A_1136 = arith.mulf %bitcast_convert_type3A_1022, %get3A_1131 : vector<16xf32>
        %add3A_1137 = arith.addf %add3A_955, %mul3A_1136 : vector<16xf32>
        %mul3A_1138 = arith.mulf %bitcast_convert_type3A_1043, %get3A_1131 : vector<16xf32>
        %add3A_1139 = arith.addf %add3A_957, %mul3A_1138 : vector<16xf32>
        scf.yield %add3A_1049, %add3A_1051, %add3A_1053, %add3A_1055, %add3A_1061, %add3A_1063, %add3A_1065, %add3A_1067, %add3A_1073, %add3A_1075, %add3A_1077, %add3A_1079, %add3A_1085, %add3A_1087, %add3A_1089, %add3A_1091, %add3A_1097, %add3A_1099, %add3A_1101, %add3A_1103, %add3A_1109, %add3A_1111, %add3A_1113, %add3A_1115, %add3A_1121, %add3A_1123, %add3A_1125, %add3A_1127, %add3A_1133, %add3A_1135, %add3A_1137, %add3A_1139 : vector<16xf32>, vector<16xf32>, vector<16xf32>, vector<16xf32>, vector<16xf32>, vector<16xf32>, vector<16xf32>, vector<16xf32>, vector<16xf32>, vector<16xf32>, vector<16xf32>, vector<16xf32>, vector<16xf32>, vector<16xf32>, vector<16xf32>, vector<16xf32>, vector<16xf32>, vector<16xf32>, vector<16xf32>, vector<16xf32>, vector<16xf32>, vector<16xf32>, vector<16xf32>, vector<16xf32>, vector<16xf32>, vector<16xf32>, vector<16xf32>, vector<16xf32>, vector<16xf32>, vector<16xf32>, vector<16xf32>, vector<16xf32>
      }
      %scan3A_49 = arith.constant 64 : i32
      %broadcast_in_dim3A_50 = arith.constant 0 : i32
      %broadcast_in_dim3A_51 = vector.broadcast %broadcast_in_dim3A_50 : i32 to vector<16xi32>
      %gt3A = arith.cmpf ogt, %scan3A_48#4, %scan3A_48#0 : vector<16xf32>
      %select_n3A_52 = arith.select %gt3A, %scan3A_48#4, %scan3A_48#0 : vector<16xi1>, vector<16xf32>
      %jit3A_53 = arith.constant 1 : i32
      %broadcast_in_dim3A_54 = vector.broadcast %jit3A_53 : i32 to vector<16xi32>
      %select_n3A_55 = arith.select %gt3A, %broadcast_in_dim3A_54, %broadcast_in_dim3A_51 : vector<16xi1>, vector<16xi32>
      %gt3A_56 = arith.cmpf ogt, %scan3A_48#8, %select_n3A_52 : vector<16xf32>
      %select_n3A_57 = arith.select %gt3A_56, %scan3A_48#8, %select_n3A_52 : vector<16xi1>, vector<16xf32>
      %jit3A_58 = arith.constant 2 : i32
      %broadcast_in_dim3A_59 = vector.broadcast %jit3A_58 : i32 to vector<16xi32>
      %select_n3A_60 = arith.select %gt3A_56, %broadcast_in_dim3A_59, %select_n3A_55 : vector<16xi1>, vector<16xi32>
      %gt3A_61 = arith.cmpf ogt, %scan3A_48#12, %select_n3A_57 : vector<16xf32>
      %select_n3A_62 = arith.select %gt3A_61, %scan3A_48#12, %select_n3A_57 : vector<16xi1>, vector<16xf32>
      %jit3A_63 = arith.constant 3 : i32
      %broadcast_in_dim3A_64 = vector.broadcast %jit3A_63 : i32 to vector<16xi32>
      %select_n3A_65 = arith.select %gt3A_61, %broadcast_in_dim3A_64, %select_n3A_60 : vector<16xi1>, vector<16xi32>
      %gt3A_66 = arith.cmpf ogt, %scan3A_48#16, %select_n3A_62 : vector<16xf32>
      %select_n3A_67 = arith.select %gt3A_66, %scan3A_48#16, %select_n3A_62 : vector<16xi1>, vector<16xf32>
      %jit3A_68 = arith.constant 4 : i32
      %broadcast_in_dim3A_69 = vector.broadcast %jit3A_68 : i32 to vector<16xi32>
      %select_n3A_70 = arith.select %gt3A_66, %broadcast_in_dim3A_69, %select_n3A_65 : vector<16xi1>, vector<16xi32>
      %gt3A_71 = arith.cmpf ogt, %scan3A_48#20, %select_n3A_67 : vector<16xf32>
      %select_n3A_72 = arith.select %gt3A_71, %scan3A_48#20, %select_n3A_67 : vector<16xi1>, vector<16xf32>
      %jit3A_73 = arith.constant 5 : i32
      %broadcast_in_dim3A_74 = vector.broadcast %jit3A_73 : i32 to vector<16xi32>
      %select_n3A_75 = arith.select %gt3A_71, %broadcast_in_dim3A_74, %select_n3A_70 : vector<16xi1>, vector<16xi32>
      %gt3A_76 = arith.cmpf ogt, %scan3A_48#24, %select_n3A_72 : vector<16xf32>
      %select_n3A_77 = arith.select %gt3A_76, %scan3A_48#24, %select_n3A_72 : vector<16xi1>, vector<16xf32>
      %jit3A_78 = arith.constant 6 : i32
      %broadcast_in_dim3A_79 = vector.broadcast %jit3A_78 : i32 to vector<16xi32>
      %select_n3A_80 = arith.select %gt3A_76, %broadcast_in_dim3A_79, %select_n3A_75 : vector<16xi1>, vector<16xi32>
      %gt3A_81 = arith.cmpf ogt, %scan3A_48#28, %select_n3A_77 : vector<16xf32>
      %select_n3A_82 = arith.select %gt3A_81, %scan3A_48#28, %select_n3A_77 : vector<16xi1>, vector<16xf32>
      %jit3A_83 = arith.constant 7 : i32
      %broadcast_in_dim3A_84 = vector.broadcast %jit3A_83 : i32 to vector<16xi32>
      %select_n3A_85 = arith.select %gt3A_81, %broadcast_in_dim3A_84, %select_n3A_80 : vector<16xi1>, vector<16xi32>
      %add3A_86 = arith.constant 0 : i32
      %add3A_87 = arith.addi %mul3A_43, %add3A_86 : i32
      %swap3A = arith.index_cast %add3A_87 : i32 to index
      %swap3A_88 = tpu.vector_load %arg12[%swap3A] {strides = array<i32>} : memref<1024xi32, #tpu.memory_space<vmem>>, vector<16xi32>,
      %swap3A_89 = vector.shape_cast %swap3A_88 : vector<16xi32> to vector<16xi32>
      %swap3A_90 = vector.shape_cast %select_n3A_85 : vector<16xi32> to vector<16xi32>
      tpu.vector_store %arg12[%swap3A], %swap3A_90 {strides = array<i32>} : memref<1024xi32, #tpu.memory_space<vmem>>, vector<16xi32>,
      %get3A_91 = arith.index_cast %add3A_87 : i32 to index
      %get3A_92 = tpu.vector_load %arg9[%get3A_91] {strides = array<i32>} : memref<1024xi32, #tpu.memory_space<vmem>>, vector<16xi32>,
      %get3A_93 = vector.shape_cast %get3A_92 : vector<16xi32> to vector<16xi32>
      %get3A_94 = arith.constant 0 : i32
      %get3A_95 = arith.index_cast %get3A_94 : i32 to index
      %get3A_96 = arith.index_cast %add3A_87 : i32 to index
      %get3A_97 = tpu.vector_load %arg8[%get3A_95, %get3A_96] {strides = array<i32>} : memref<64x1024xf32, #tpu.memory_space<vmem>>, vector<1x16xf32>,
      %get3A_98 = vector.shape_cast %get3A_97 : vector<1x16xf32> to vector<16xf32>
      %get3A_99 = arith.constant 1 : i32
      %get3A_100 = arith.index_cast %get3A_99 : i32 to index
      %get3A_101 = arith.index_cast %add3A_87 : i32 to index
      %get3A_102 = tpu.vector_load %arg8[%get3A_100, %get3A_101] {strides = array<i32>} : memref<64x1024xf32, #tpu.memory_space<vmem>>, vector<1x16xf32>,
      %get3A_103 = vector.shape_cast %get3A_102 : vector<1x16xf32> to vector<16xf32>
      %ge3A = arith.cmpi sge, %get3A_93, %get3A_34 : vector<16xi32>
      %jit3A_104 = arith.constant 4 : i32
      %jit3A_105 = arith.constant 0 : i32
      %broadcast_in_dim3A_106 = vector.broadcast %jit3A_104 : i32 to vector<16xi32>
      %broadcast_in_dim3A_107 = vector.broadcast %jit3A_105 : i32 to vector<16xi32>
      %select_n3A_108 = arith.select %ge3A, %broadcast_in_dim3A_106, %broadcast_in_dim3A_107 : vector<16xi1>, vector<16xi32>
      %gt3A_109 = arith.constant 0.000000e+00 : f32
      %gt3A_110 = vector.broadcast %gt3A_109 : f32 to vector<16xf32>
      %gt3A_111 = arith.cmpf ogt, %get3A_98, %gt3A_110 : vector<16xf32>
      %jit3A_112 = arith.constant 2 : i32
      %jit3A_113 = arith.constant 0 : i32
      %broadcast_in_dim3A_114 = vector.broadcast %jit3A_112 : i32 to vector<16xi32>
      %broadcast_in_dim3A_115 = vector.broadcast %jit3A_113 : i32 to vector<16xi32>
      %select_n3A_116 = arith.select %gt3A_111, %broadcast_in_dim3A_114, %broadcast_in_dim3A_115 : vector<16xi1>, vector<16xi32>
      %add3A_117 = arith.addi %select_n3A_108, %select_n3A_116 : vector<16xi32>
      %gt3A_118 = arith.constant 0.000000e+00 : f32
      %gt3A_119 = vector.broadcast %gt3A_118 : f32 to vector<16xf32>
      %gt3A_120 = arith.cmpf ogt, %get3A_103, %gt3A_119 : vector<16xf32>
      %jit3A_121 = arith.constant 1 : i32
      %jit3A_122 = arith.constant 0 : i32
      %broadcast_in_dim3A_123 = vector.broadcast %jit3A_121 : i32 to vector<16xi32>
      %broadcast_in_dim3A_124 = vector.broadcast %jit3A_122 : i32 to vector<16xi32>
      %select_n3A_125 = arith.select %gt3A_120, %broadcast_in_dim3A_123, %broadcast_in_dim3A_124 : vector<16xi1>, vector<16xi32>
      %add3A_126 = arith.addi %add3A_117, %select_n3A_125 : vector<16xi32>
      %swap3A_127 = arith.index_cast %add3A_87 : i32 to index
      %swap3A_128 = tpu.vector_load %arg13[%swap3A_127] {strides = array<i32>} : memref<1024xi32, #tpu.memory_space<vmem>>, vector<16xi32>,
      %swap3A_129 = vector.shape_cast %swap3A_128 : vector<16xi32> to vector<16xi32>
      %swap3A_130 = vector.shape_cast %add3A_126 : vector<16xi32> to vector<16xi32>
      tpu.vector_store %arg13[%swap3A_127], %swap3A_130 {strides = array<i32>} : memref<1024xi32, #tpu.memory_space<vmem>>, vector<16xi32>,
      %broadcast_in_dim3A_131 = arith.constant 0 : i32
      %broadcast_in_dim3A_132 = vector.broadcast %broadcast_in_dim3A_131 : i32 to vector<16xi32>
      %gt3A_133 = arith.cmpf ogt, %scan3A_48#5, %scan3A_48#1 : vector<16xf32>
      %select_n3A_134 = arith.select %gt3A_133, %scan3A_48#5, %scan3A_48#1 : vector<16xi1>, vector<16xf32>
      %jit3A_135 = arith.constant 1 : i32
      %broadcast_in_dim3A_136 = vector.broadcast %jit3A_135 : i32 to vector<16xi32>
      %select_n3A_137 = arith.select %gt3A_133, %broadcast_in_dim3A_136, %broadcast_in_dim3A_132 : vector<16xi1>, vector<16xi32>
      %gt3A_138 = arith.cmpf ogt, %scan3A_48#9, %select_n3A_134 : vector<16xf32>
      %select_n3A_139 = arith.select %gt3A_138, %scan3A_48#9, %select_n3A_134 : vector<16xi1>, vector<16xf32>
      %jit3A_140 = arith.constant 2 : i32
      %broadcast_in_dim3A_141 = vector.broadcast %jit3A_140 : i32 to vector<16xi32>
      %select_n3A_142 = arith.select %gt3A_138, %broadcast_in_dim3A_141, %select_n3A_137 : vector<16xi1>, vector<16xi32>
      %gt3A_143 = arith.cmpf ogt, %scan3A_48#13, %select_n3A_139 : vector<16xf32>
      %select_n3A_144 = arith.select %gt3A_143, %scan3A_48#13, %select_n3A_139 : vector<16xi1>, vector<16xf32>
      %jit3A_145 = arith.constant 3 : i32
      %broadcast_in_dim3A_146 = vector.broadcast %jit3A_145 : i32 to vector<16xi32>
      %select_n3A_147 = arith.select %gt3A_143, %broadcast_in_dim3A_146, %select_n3A_142 : vector<16xi1>, vector<16xi32>
      %gt3A_148 = arith.cmpf ogt, %scan3A_48#17, %select_n3A_144 : vector<16xf32>
      %select_n3A_149 = arith.select %gt3A_148, %scan3A_48#17, %select_n3A_144 : vector<16xi1>, vector<16xf32>
      %jit3A_150 = arith.constant 4 : i32
      %broadcast_in_dim3A_151 = vector.broadcast %jit3A_150 : i32 to vector<16xi32>
      %select_n3A_152 = arith.select %gt3A_148, %broadcast_in_dim3A_151, %select_n3A_147 : vector<16xi1>, vector<16xi32>
      %gt3A_153 = arith.cmpf ogt, %scan3A_48#21, %select_n3A_149 : vector<16xf32>
      %select_n3A_154 = arith.select %gt3A_153, %scan3A_48#21, %select_n3A_149 : vector<16xi1>, vector<16xf32>
      %jit3A_155 = arith.constant 5 : i32
      %broadcast_in_dim3A_156 = vector.broadcast %jit3A_155 : i32 to vector<16xi32>
      %select_n3A_157 = arith.select %gt3A_153, %broadcast_in_dim3A_156, %select_n3A_152 : vector<16xi1>, vector<16xi32>
      %gt3A_158 = arith.cmpf ogt, %scan3A_48#25, %select_n3A_154 : vector<16xf32>
      %select_n3A_159 = arith.select %gt3A_158, %scan3A_48#25, %select_n3A_154 : vector<16xi1>, vector<16xf32>
      %jit3A_160 = arith.constant 6 : i32
      %broadcast_in_dim3A_161 = vector.broadcast %jit3A_160 : i32 to vector<16xi32>
      %select_n3A_162 = arith.select %gt3A_158, %broadcast_in_dim3A_161, %select_n3A_157 : vector<16xi1>, vector<16xi32>
      %gt3A_163 = arith.cmpf ogt, %scan3A_48#29, %select_n3A_159 : vector<16xf32>
      %select_n3A_164 = arith.select %gt3A_163, %scan3A_48#29, %select_n3A_159 : vector<16xi1>, vector<16xf32>
      %jit3A_165 = arith.constant 7 : i32
      %broadcast_in_dim3A_166 = vector.broadcast %jit3A_165 : i32 to vector<16xi32>
      %select_n3A_167 = arith.select %gt3A_163, %broadcast_in_dim3A_166, %select_n3A_162 : vector<16xi1>, vector<16xi32>
      %add3A_168 = arith.constant 16 : i32
      %add3A_169 = arith.addi %mul3A_43, %add3A_168 : i32
      %swap3A_170 = arith.index_cast %add3A_169 : i32 to index
      %swap3A_171 = tpu.vector_load %arg12[%swap3A_170] {strides = array<i32>} : memref<1024xi32, #tpu.memory_space<vmem>>, vector<16xi32>,
      %swap3A_172 = vector.shape_cast %swap3A_171 : vector<16xi32> to vector<16xi32>
      %swap3A_173 = vector.shape_cast %select_n3A_167 : vector<16xi32> to vector<16xi32>
      tpu.vector_store %arg12[%swap3A_170], %swap3A_173 {strides = array<i32>} : memref<1024xi32, #tpu.memory_space<vmem>>, vector<16xi32>,
      %get3A_174 = arith.index_cast %add3A_169 : i32 to index
      %get3A_175 = tpu.vector_load %arg9[%get3A_174] {strides = array<i32>} : memref<1024xi32, #tpu.memory_space<vmem>>, vector<16xi32>,
      %get3A_176 = vector.shape_cast %get3A_175 : vector<16xi32> to vector<16xi32>
      %get3A_177 = arith.constant 0 : i32
      %get3A_178 = arith.index_cast %get3A_177 : i32 to index
      %get3A_179 = arith.index_cast %add3A_169 : i32 to index
      %get3A_180 = tpu.vector_load %arg8[%get3A_178, %get3A_179] {strides = array<i32>} : memref<64x1024xf32, #tpu.memory_space<vmem>>, vector<1x16xf32>,
      %get3A_181 = vector.shape_cast %get3A_180 : vector<1x16xf32> to vector<16xf32>
      %get3A_182 = arith.constant 1 : i32
      %get3A_183 = arith.index_cast %get3A_182 : i32 to index
      %get3A_184 = arith.index_cast %add3A_169 : i32 to index
      %get3A_185 = tpu.vector_load %arg8[%get3A_183, %get3A_184] {strides = array<i32>} : memref<64x1024xf32, #tpu.memory_space<vmem>>, vector<1x16xf32>,
      %get3A_186 = vector.shape_cast %get3A_185 : vector<1x16xf32> to vector<16xf32>
      %ge3A_187 = arith.cmpi sge, %get3A_176, %get3A_34 : vector<16xi32>
      %jit3A_188 = arith.constant 4 : i32
      %jit3A_189 = arith.constant 0 : i32
      %broadcast_in_dim3A_190 = vector.broadcast %jit3A_188 : i32 to vector<16xi32>
      %broadcast_in_dim3A_191 = vector.broadcast %jit3A_189 : i32 to vector<16xi32>
      %select_n3A_192 = arith.select %ge3A_187, %broadcast_in_dim3A_190, %broadcast_in_dim3A_191 : vector<16xi1>, vector<16xi32>
      %gt3A_193 = arith.constant 0.000000e+00 : f32
      %gt3A_194 = vector.broadcast %gt3A_193 : f32 to vector<16xf32>
      %gt3A_195 = arith.cmpf ogt, %get3A_181, %gt3A_194 : vector<16xf32>
      %jit3A_196 = arith.constant 2 : i32
      %jit3A_197 = arith.constant 0 : i32
      %broadcast_in_dim3A_198 = vector.broadcast %jit3A_196 : i32 to vector<16xi32>
      %broadcast_in_dim3A_199 = vector.broadcast %jit3A_197 : i32 to vector<16xi32>
      %select_n3A_200 = arith.select %gt3A_195, %broadcast_in_dim3A_198, %broadcast_in_dim3A_199 : vector<16xi1>, vector<16xi32>
      %add3A_201 = arith.addi %select_n3A_192, %select_n3A_200 : vector<16xi32>
      %gt3A_202 = arith.constant 0.000000e+00 : f32
      %gt3A_203 = vector.broadcast %gt3A_202 : f32 to vector<16xf32>
      %gt3A_204 = arith.cmpf ogt, %get3A_186, %gt3A_203 : vector<16xf32>
      %jit3A_205 = arith.constant 1 : i32
      %jit3A_206 = arith.constant 0 : i32
      %broadcast_in_dim3A_207 = vector.broadcast %jit3A_205 : i32 to vector<16xi32>
      %broadcast_in_dim3A_208 = vector.broadcast %jit3A_206 : i32 to vector<16xi32>
      %select_n3A_209 = arith.select %gt3A_204, %broadcast_in_dim3A_207, %broadcast_in_dim3A_208 : vector<16xi1>, vector<16xi32>
      %add3A_210 = arith.addi %add3A_201, %select_n3A_209 : vector<16xi32>
      %swap3A_211 = arith.index_cast %add3A_169 : i32 to index
      %swap3A_212 = tpu.vector_load %arg13[%swap3A_211] {strides = array<i32>} : memref<1024xi32, #tpu.memory_space<vmem>>, vector<16xi32>,
      %swap3A_213 = vector.shape_cast %swap3A_212 : vector<16xi32> to vector<16xi32>
      %swap3A_214 = vector.shape_cast %add3A_210 : vector<16xi32> to vector<16xi32>
      tpu.vector_store %arg13[%swap3A_211], %swap3A_214 {strides = array<i32>} : memref<1024xi32, #tpu.memory_space<vmem>>, vector<16xi32>,
      %broadcast_in_dim3A_215 = arith.constant 0 : i32
      %broadcast_in_dim3A_216 = vector.broadcast %broadcast_in_dim3A_215 : i32 to vector<16xi32>
      %gt3A_217 = arith.cmpf ogt, %scan3A_48#6, %scan3A_48#2 : vector<16xf32>
      %select_n3A_218 = arith.select %gt3A_217, %scan3A_48#6, %scan3A_48#2 : vector<16xi1>, vector<16xf32>
      %jit3A_219 = arith.constant 1 : i32
      %broadcast_in_dim3A_220 = vector.broadcast %jit3A_219 : i32 to vector<16xi32>
      %select_n3A_221 = arith.select %gt3A_217, %broadcast_in_dim3A_220, %broadcast_in_dim3A_216 : vector<16xi1>, vector<16xi32>
      %gt3A_222 = arith.cmpf ogt, %scan3A_48#10, %select_n3A_218 : vector<16xf32>
      %select_n3A_223 = arith.select %gt3A_222, %scan3A_48#10, %select_n3A_218 : vector<16xi1>, vector<16xf32>
      %jit3A_224 = arith.constant 2 : i32
      %broadcast_in_dim3A_225 = vector.broadcast %jit3A_224 : i32 to vector<16xi32>
      %select_n3A_226 = arith.select %gt3A_222, %broadcast_in_dim3A_225, %select_n3A_221 : vector<16xi1>, vector<16xi32>
      %gt3A_227 = arith.cmpf ogt, %scan3A_48#14, %select_n3A_223 : vector<16xf32>
      %select_n3A_228 = arith.select %gt3A_227, %scan3A_48#14, %select_n3A_223 : vector<16xi1>, vector<16xf32>
      %jit3A_229 = arith.constant 3 : i32
      %broadcast_in_dim3A_230 = vector.broadcast %jit3A_229 : i32 to vector<16xi32>
      %select_n3A_231 = arith.select %gt3A_227, %broadcast_in_dim3A_230, %select_n3A_226 : vector<16xi1>, vector<16xi32>
      %gt3A_232 = arith.cmpf ogt, %scan3A_48#18, %select_n3A_228 : vector<16xf32>
      %select_n3A_233 = arith.select %gt3A_232, %scan3A_48#18, %select_n3A_228 : vector<16xi1>, vector<16xf32>
      %jit3A_234 = arith.constant 4 : i32
      %broadcast_in_dim3A_235 = vector.broadcast %jit3A_234 : i32 to vector<16xi32>
      %select_n3A_236 = arith.select %gt3A_232, %broadcast_in_dim3A_235, %select_n3A_231 : vector<16xi1>, vector<16xi32>
      %gt3A_237 = arith.cmpf ogt, %scan3A_48#22, %select_n3A_233 : vector<16xf32>
      %select_n3A_238 = arith.select %gt3A_237, %scan3A_48#22, %select_n3A_233 : vector<16xi1>, vector<16xf32>
      %jit3A_239 = arith.constant 5 : i32
      %broadcast_in_dim3A_240 = vector.broadcast %jit3A_239 : i32 to vector<16xi32>
      %select_n3A_241 = arith.select %gt3A_237, %broadcast_in_dim3A_240, %select_n3A_236 : vector<16xi1>, vector<16xi32>
      %gt3A_242 = arith.cmpf ogt, %scan3A_48#26, %select_n3A_238 : vector<16xf32>
      %select_n3A_243 = arith.select %gt3A_242, %scan3A_48#26, %select_n3A_238 : vector<16xi1>, vector<16xf32>
      %jit3A_244 = arith.constant 6 : i32
      %broadcast_in_dim3A_245 = vector.broadcast %jit3A_244 : i32 to vector<16xi32>
      %select_n3A_246 = arith.select %gt3A_242, %broadcast_in_dim3A_245, %select_n3A_241 : vector<16xi1>, vector<16xi32>
      %gt3A_247 = arith.cmpf ogt, %scan3A_48#30, %select_n3A_243 : vector<16xf32>
      %select_n3A_248 = arith.select %gt3A_247, %scan3A_48#30, %select_n3A_243 : vector<16xi1>, vector<16xf32>
      %jit3A_249 = arith.constant 7 : i32
      %broadcast_in_dim3A_250 = vector.broadcast %jit3A_249 : i32 to vector<16xi32>
      %select_n3A_251 = arith.select %gt3A_247, %broadcast_in_dim3A_250, %select_n3A_246 : vector<16xi1>, vector<16xi32>
      %add3A_252 = arith.constant 32 : i32
      %add3A_253 = arith.addi %mul3A_43, %add3A_252 : i32
      %swap3A_254 = arith.index_cast %add3A_253 : i32 to index
      %swap3A_255 = tpu.vector_load %arg12[%swap3A_254] {strides = array<i32>} : memref<1024xi32, #tpu.memory_space<vmem>>, vector<16xi32>,
      %swap3A_256 = vector.shape_cast %swap3A_255 : vector<16xi32> to vector<16xi32>
      %swap3A_257 = vector.shape_cast %select_n3A_251 : vector<16xi32> to vector<16xi32>
      tpu.vector_store %arg12[%swap3A_254], %swap3A_257 {strides = array<i32>} : memref<1024xi32, #tpu.memory_space<vmem>>, vector<16xi32>,
      %get3A_258 = arith.index_cast %add3A_253 : i32 to index
      %get3A_259 = tpu.vector_load %arg9[%get3A_258] {strides = array<i32>} : memref<1024xi32, #tpu.memory_space<vmem>>, vector<16xi32>,
      %get3A_260 = vector.shape_cast %get3A_259 : vector<16xi32> to vector<16xi32>
      %get3A_261 = arith.constant 0 : i32
      %get3A_262 = arith.index_cast %get3A_261 : i32 to index
      %get3A_263 = arith.index_cast %add3A_253 : i32 to index
      %get3A_264 = tpu.vector_load %arg8[%get3A_262, %get3A_263] {strides = array<i32>} : memref<64x1024xf32, #tpu.memory_space<vmem>>, vector<1x16xf32>,
      %get3A_265 = vector.shape_cast %get3A_264 : vector<1x16xf32> to vector<16xf32>
      %get3A_266 = arith.constant 1 : i32
      %get3A_267 = arith.index_cast %get3A_266 : i32 to index
      %get3A_268 = arith.index_cast %add3A_253 : i32 to index
      %get3A_269 = tpu.vector_load %arg8[%get3A_267, %get3A_268] {strides = array<i32>} : memref<64x1024xf32, #tpu.memory_space<vmem>>, vector<1x16xf32>,
      %get3A_270 = vector.shape_cast %get3A_269 : vector<1x16xf32> to vector<16xf32>
      %ge3A_271 = arith.cmpi sge, %get3A_260, %get3A_34 : vector<16xi32>
      %jit3A_272 = arith.constant 4 : i32
      %jit3A_273 = arith.constant 0 : i32
      %broadcast_in_dim3A_274 = vector.broadcast %jit3A_272 : i32 to vector<16xi32>
      %broadcast_in_dim3A_275 = vector.broadcast %jit3A_273 : i32 to vector<16xi32>
      %select_n3A_276 = arith.select %ge3A_271, %broadcast_in_dim3A_274, %broadcast_in_dim3A_275 : vector<16xi1>, vector<16xi32>
      %gt3A_277 = arith.constant 0.000000e+00 : f32
      %gt3A_278 = vector.broadcast %gt3A_277 : f32 to vector<16xf32>
      %gt3A_279 = arith.cmpf ogt, %get3A_265, %gt3A_278 : vector<16xf32>
      %jit3A_280 = arith.constant 2 : i32
      %jit3A_281 = arith.constant 0 : i32
      %broadcast_in_dim3A_282 = vector.broadcast %jit3A_280 : i32 to vector<16xi32>
      %broadcast_in_dim3A_283 = vector.broadcast %jit3A_281 : i32 to vector<16xi32>
      %select_n3A_284 = arith.select %gt3A_279, %broadcast_in_dim3A_282, %broadcast_in_dim3A_283 : vector<16xi1>, vector<16xi32>
      %add3A_285 = arith.addi %select_n3A_276, %select_n3A_284 : vector<16xi32>
      %gt3A_286 = arith.constant 0.000000e+00 : f32
      %gt3A_287 = vector.broadcast %gt3A_286 : f32 to vector<16xf32>
      %gt3A_288 = arith.cmpf ogt, %get3A_270, %gt3A_287 : vector<16xf32>
      %jit3A_289 = arith.constant 1 : i32
      %jit3A_290 = arith.constant 0 : i32
      %broadcast_in_dim3A_291 = vector.broadcast %jit3A_289 : i32 to vector<16xi32>
      %broadcast_in_dim3A_292 = vector.broadcast %jit3A_290 : i32 to vector<16xi32>
      %select_n3A_293 = arith.select %gt3A_288, %broadcast_in_dim3A_291, %broadcast_in_dim3A_292 : vector<16xi1>, vector<16xi32>
      %add3A_294 = arith.addi %add3A_285, %select_n3A_293 : vector<16xi32>
      %swap3A_295 = arith.index_cast %add3A_253 : i32 to index
      %swap3A_296 = tpu.vector_load %arg13[%swap3A_295] {strides = array<i32>} : memref<1024xi32, #tpu.memory_space<vmem>>, vector<16xi32>,
      %swap3A_297 = vector.shape_cast %swap3A_296 : vector<16xi32> to vector<16xi32>
      %swap3A_298 = vector.shape_cast %add3A_294 : vector<16xi32> to vector<16xi32>
      tpu.vector_store %arg13[%swap3A_295], %swap3A_298 {strides = array<i32>} : memref<1024xi32, #tpu.memory_space<vmem>>, vector<16xi32>,
      %broadcast_in_dim3A_299 = arith.constant 0 : i32
      %broadcast_in_dim3A_300 = vector.broadcast %broadcast_in_dim3A_299 : i32 to vector<16xi32>
      %gt3A_301 = arith.cmpf ogt, %scan3A_48#7, %scan3A_48#3 : vector<16xf32>
      %select_n3A_302 = arith.select %gt3A_301, %scan3A_48#7, %scan3A_48#3 : vector<16xi1>, vector<16xf32>
      %jit3A_303 = arith.constant 1 : i32
      %broadcast_in_dim3A_304 = vector.broadcast %jit3A_303 : i32 to vector<16xi32>
      %select_n3A_305 = arith.select %gt3A_301, %broadcast_in_dim3A_304, %broadcast_in_dim3A_300 : vector<16xi1>, vector<16xi32>
      %gt3A_306 = arith.cmpf ogt, %scan3A_48#11, %select_n3A_302 : vector<16xf32>
      %select_n3A_307 = arith.select %gt3A_306, %scan3A_48#11, %select_n3A_302 : vector<16xi1>, vector<16xf32>
      %jit3A_308 = arith.constant 2 : i32
      %broadcast_in_dim3A_309 = vector.broadcast %jit3A_308 : i32 to vector<16xi32>
      %select_n3A_310 = arith.select %gt3A_306, %broadcast_in_dim3A_309, %select_n3A_305 : vector<16xi1>, vector<16xi32>
      %gt3A_311 = arith.cmpf ogt, %scan3A_48#15, %select_n3A_307 : vector<16xf32>
      %select_n3A_312 = arith.select %gt3A_311, %scan3A_48#15, %select_n3A_307 : vector<16xi1>, vector<16xf32>
      %jit3A_313 = arith.constant 3 : i32
      %broadcast_in_dim3A_314 = vector.broadcast %jit3A_313 : i32 to vector<16xi32>
      %select_n3A_315 = arith.select %gt3A_311, %broadcast_in_dim3A_314, %select_n3A_310 : vector<16xi1>, vector<16xi32>
      %gt3A_316 = arith.cmpf ogt, %scan3A_48#19, %select_n3A_312 : vector<16xf32>
      %select_n3A_317 = arith.select %gt3A_316, %scan3A_48#19, %select_n3A_312 : vector<16xi1>, vector<16xf32>
      %jit3A_318 = arith.constant 4 : i32
      %broadcast_in_dim3A_319 = vector.broadcast %jit3A_318 : i32 to vector<16xi32>
      %select_n3A_320 = arith.select %gt3A_316, %broadcast_in_dim3A_319, %select_n3A_315 : vector<16xi1>, vector<16xi32>
      %gt3A_321 = arith.cmpf ogt, %scan3A_48#23, %select_n3A_317 : vector<16xf32>
      %select_n3A_322 = arith.select %gt3A_321, %scan3A_48#23, %select_n3A_317 : vector<16xi1>, vector<16xf32>
      %jit3A_323 = arith.constant 5 : i32
      %broadcast_in_dim3A_324 = vector.broadcast %jit3A_323 : i32 to vector<16xi32>
      %select_n3A_325 = arith.select %gt3A_321, %broadcast_in_dim3A_324, %select_n3A_320 : vector<16xi1>, vector<16xi32>
      %gt3A_326 = arith.cmpf ogt, %scan3A_48#27, %select_n3A_322 : vector<16xf32>
      %select_n3A_327 = arith.select %gt3A_326, %scan3A_48#27, %select_n3A_322 : vector<16xi1>, vector<16xf32>
      %jit3A_328 = arith.constant 6 : i32
      %broadcast_in_dim3A_329 = vector.broadcast %jit3A_328 : i32 to vector<16xi32>
      %select_n3A_330 = arith.select %gt3A_326, %broadcast_in_dim3A_329, %select_n3A_325 : vector<16xi1>, vector<16xi32>
      %gt3A_331 = arith.cmpf ogt, %scan3A_48#31, %select_n3A_327 : vector<16xf32>
      %select_n3A_332 = arith.select %gt3A_331, %scan3A_48#31, %select_n3A_327 : vector<16xi1>, vector<16xf32>
      %jit3A_333 = arith.constant 7 : i32
      %broadcast_in_dim3A_334 = vector.broadcast %jit3A_333 : i32 to vector<16xi32>
      %select_n3A_335 = arith.select %gt3A_331, %broadcast_in_dim3A_334, %select_n3A_330 : vector<16xi1>, vector<16xi32>
      %add3A_336 = arith.constant 48 : i32
      %add3A_337 = arith.addi %mul3A_43, %add3A_336 : i32
      %swap3A_338 = arith.index_cast %add3A_337 : i32 to index
      %swap3A_339 = tpu.vector_load %arg12[%swap3A_338] {strides = array<i32>} : memref<1024xi32, #tpu.memory_space<vmem>>, vector<16xi32>,
      %swap3A_340 = vector.shape_cast %swap3A_339 : vector<16xi32> to vector<16xi32>
      %swap3A_341 = vector.shape_cast %select_n3A_335 : vector<16xi32> to vector<16xi32>
      tpu.vector_store %arg12[%swap3A_338], %swap3A_341 {strides = array<i32>} : memref<1024xi32, #tpu.memory_space<vmem>>, vector<16xi32>,
      %get3A_342 = arith.index_cast %add3A_337 : i32 to index
      %get3A_343 = tpu.vector_load %arg9[%get3A_342] {strides = array<i32>} : memref<1024xi32, #tpu.memory_space<vmem>>, vector<16xi32>,
      %get3A_344 = vector.shape_cast %get3A_343 : vector<16xi32> to vector<16xi32>
      %get3A_345 = arith.constant 0 : i32
      %get3A_346 = arith.index_cast %get3A_345 : i32 to index
      %get3A_347 = arith.index_cast %add3A_337 : i32 to index
      %get3A_348 = tpu.vector_load %arg8[%get3A_346, %get3A_347] {strides = array<i32>} : memref<64x1024xf32, #tpu.memory_space<vmem>>, vector<1x16xf32>,
      %get3A_349 = vector.shape_cast %get3A_348 : vector<1x16xf32> to vector<16xf32>
      %get3A_350 = arith.constant 1 : i32
      %get3A_351 = arith.index_cast %get3A_350 : i32 to index
      %get3A_352 = arith.index_cast %add3A_337 : i32 to index
      %get3A_353 = tpu.vector_load %arg8[%get3A_351, %get3A_352] {strides = array<i32>} : memref<64x1024xf32, #tpu.memory_space<vmem>>, vector<1x16xf32>,
      %get3A_354 = vector.shape_cast %get3A_353 : vector<1x16xf32> to vector<16xf32>
      %ge3A_355 = arith.cmpi sge, %get3A_344, %get3A_34 : vector<16xi32>
      %jit3A_356 = arith.constant 4 : i32
      %jit3A_357 = arith.constant 0 : i32
      %broadcast_in_dim3A_358 = vector.broadcast %jit3A_356 : i32 to vector<16xi32>
      %broadcast_in_dim3A_359 = vector.broadcast %jit3A_357 : i32 to vector<16xi32>
      %select_n3A_360 = arith.select %ge3A_355, %broadcast_in_dim3A_358, %broadcast_in_dim3A_359 : vector<16xi1>, vector<16xi32>
      %gt3A_361 = arith.constant 0.000000e+00 : f32
      %gt3A_362 = vector.broadcast %gt3A_361 : f32 to vector<16xf32>
      %gt3A_363 = arith.cmpf ogt, %get3A_349, %gt3A_362 : vector<16xf32>
      %jit3A_364 = arith.constant 2 : i32
      %jit3A_365 = arith.constant 0 : i32
      %broadcast_in_dim3A_366 = vector.broadcast %jit3A_364 : i32 to vector<16xi32>
      %broadcast_in_dim3A_367 = vector.broadcast %jit3A_365 : i32 to vector<16xi32>
      %select_n3A_368 = arith.select %gt3A_363, %broadcast_in_dim3A_366, %broadcast_in_dim3A_367 : vector<16xi1>, vector<16xi32>
      %add3A_369 = arith.addi %select_n3A_360, %select_n3A_368 : vector<16xi32>
      %gt3A_370 = arith.constant 0.000000e+00 : f32
      %gt3A_371 = vector.broadcast %gt3A_370 : f32 to vector<16xf32>
      %gt3A_372 = arith.cmpf ogt, %get3A_354, %gt3A_371 : vector<16xf32>
      %jit3A_373 = arith.constant 1 : i32
      %jit3A_374 = arith.constant 0 : i32
      %broadcast_in_dim3A_375 = vector.broadcast %jit3A_373 : i32 to vector<16xi32>
      %broadcast_in_dim3A_376 = vector.broadcast %jit3A_374 : i32 to vector<16xi32>
      %select_n3A_377 = arith.select %gt3A_372, %broadcast_in_dim3A_375, %broadcast_in_dim3A_376 : vector<16xi1>, vector<16xi32>
      %add3A_378 = arith.addi %add3A_369, %select_n3A_377 : vector<16xi32>
      %swap3A_379 = arith.index_cast %add3A_337 : i32 to index
      %swap3A_380 = tpu.vector_load %arg13[%swap3A_379] {strides = array<i32>} : memref<1024xi32, #tpu.memory_space<vmem>>, vector<16xi32>,
      %swap3A_381 = vector.shape_cast %swap3A_380 : vector<16xi32> to vector<16xi32>
      %swap3A_382 = vector.shape_cast %add3A_378 : vector<16xi32> to vector<16xi32>
      tpu.vector_store %arg13[%swap3A_379], %swap3A_382 {strides = array<i32>} : memref<1024xi32, #tpu.memory_space<vmem>>, vector<16xi32>,
    }
    %scan3A_40 = arith.constant 16 : i32
    "tpu.region"() ({
      %run_scoped3A = tpu.sem_alloc : memref<!tpu.dma_semaphore, #tpu.memory_space<semaphore_mem>>
      %dma_start3A = tpu.memref_slice %arg6[%select_n3A, %mul3A_32] : memref<4x8192xi32, #tpu.memory_space<hbm>> -> memref<1x1024xi32, #tpu.memory_space<hbm>>
      %dma_start3A_41 = tpu.memref_squeeze %dma_start3A : memref<1x1024xi32, #tpu.memory_space<hbm>> -> memref<1024xi32, #tpu.memory_space<hbm>>
      %dma_start3A_42 = tpu.memref_slice %arg6[%select_n3A, %mul3A_32] : memref<4x8192xi32, #tpu.memory_space<hbm>> -> memref<1x1024xi32, #tpu.memory_space<hbm>>
      %dma_start3A_43 = tpu.memref_squeeze %dma_start3A_42 : memref<1x1024xi32, #tpu.memory_space<hbm>> -> memref<1024xi32, #tpu.memory_space<hbm>>
      tpu.enqueue_dma source(%arg12 : memref<1024xi32, #tpu.memory_space<vmem>>) target(%dma_start3A_43 : memref<1024xi32, #tpu.memory_space<hbm>>) target_semaphore(%run_scoped3A : memref<!tpu.dma_semaphore, #tpu.memory_space<semaphore_mem>>)
      %dma_wait3A = tpu.memref_slice %arg6[%select_n3A, %mul3A_32] : memref<4x8192xi32, #tpu.memory_space<hbm>> -> memref<1x1024xi32, #tpu.memory_space<hbm>>
      %dma_wait3A_44 = tpu.memref_squeeze %dma_wait3A : memref<1x1024xi32, #tpu.memory_space<hbm>> -> memref<1024xi32, #tpu.memory_space<hbm>>
      %dma_wait3A_45 = tpu.memref_slice %arg6[%select_n3A, %mul3A_32] : memref<4x8192xi32, #tpu.memory_space<hbm>> -> memref<1x1024xi32, #tpu.memory_space<hbm>>
      %dma_wait3A_46 = tpu.memref_squeeze %dma_wait3A_45 : memref<1x1024xi32, #tpu.memory_space<hbm>> -> memref<1024xi32, #tpu.memory_space<hbm>>
      tpu.wait_dma2 semaphore(%run_scoped3A : memref<!tpu.dma_semaphore, #tpu.memory_space<semaphore_mem>>) src(%arg12 : memref<1024xi32, #tpu.memory_space<vmem>>) dst(%dma_wait3A_46 : memref<1024xi32, #tpu.memory_space<hbm>>)
      tpu.yield
    }) : () -> ()
    "tpu.region"() ({
      %run_scoped3A = tpu.sem_alloc : memref<!tpu.dma_semaphore, #tpu.memory_space<semaphore_mem>>
      %dma_start3A = tpu.memref_slice %arg7[%select_n3A, %mul3A_32] : memref<4x8192xi32, #tpu.memory_space<hbm>> -> memref<1x1024xi32, #tpu.memory_space<hbm>>
      %dma_start3A_41 = tpu.memref_squeeze %dma_start3A : memref<1x1024xi32, #tpu.memory_space<hbm>> -> memref<1024xi32, #tpu.memory_space<hbm>>
      %dma_start3A_42 = tpu.memref_slice %arg7[%select_n3A, %mul3A_32] : memref<4x8192xi32, #tpu.memory_space<hbm>> -> memref<1x1024xi32, #tpu.memory_space<hbm>>
      %dma_start3A_43 = tpu.memref_squeeze %dma_start3A_42 : memref<1x1024xi32, #tpu.memory_space<hbm>> -> memref<1024xi32, #tpu.memory_space<hbm>>
      tpu.enqueue_dma source(%arg13 : memref<1024xi32, #tpu.memory_space<vmem>>) target(%dma_start3A_43 : memref<1024xi32, #tpu.memory_space<hbm>>) target_semaphore(%run_scoped3A : memref<!tpu.dma_semaphore, #tpu.memory_space<semaphore_mem>>)
      %dma_wait3A = tpu.memref_slice %arg7[%select_n3A, %mul3A_32] : memref<4x8192xi32, #tpu.memory_space<hbm>> -> memref<1x1024xi32, #tpu.memory_space<hbm>>
      %dma_wait3A_44 = tpu.memref_squeeze %dma_wait3A : memref<1x1024xi32, #tpu.memory_space<hbm>> -> memref<1024xi32, #tpu.memory_space<hbm>>
      %dma_wait3A_45 = tpu.memref_slice %arg7[%select_n3A, %mul3A_32] : memref<4x8192xi32, #tpu.memory_space<hbm>> -> memref<1x1024xi32, #tpu.memory_space<hbm>>
      %dma_wait3A_46 = tpu.memref_squeeze %dma_wait3A_45 : memref<1x1024xi32, #tpu.memory_space<hbm>> -> memref<1024xi32, #tpu.memory_space<hbm>>
      tpu.wait_dma2 semaphore(%run_scoped3A : memref<!tpu.dma_semaphore, #tpu.memory_space<semaphore_mem>>) src(%arg13 : memref<1024xi32, #tpu.memory_space<vmem>>) dst(%dma_wait3A_46 : memref<1024xi32, #tpu.memory_space<hbm>>)
      tpu.yield
    }) : () -> ()
    return
  }
}

</mosaic_0001>

<sc_bundles>
// kernel: kernel.3.cloned.1.call-start
scs
__scs_entry_jumppad:
0x0: {  	(pc) =	sbr.rel $0x88, $3  }
0x1: {  	(tag) =	ssettag $0x0;
	lr =	simm.s32 $0x1  }
0x2: {  	[smem:$0x3F9D] =	sst lr;
	_ =	strace $0xD0000000  }
0x3: {  	_ = 	snop  }
0x4: {  	_ = 	snop  }
0x5: {  	_ = 	snop  }
0x6: {  	_ = 	snop  }
0x7: {  	_ = 	snop  }
__scs_overlays_trampoline_lowered:
0x8: {  	[smem:$0x3FAC] =	sst s0  }
0x9: {  	[smem:$0x3FAD] =	sst s1  }
0xa: {  	[smem:$0x3FAE] =	sst s2  }
0xb: {  	[smem:$0x3FAF] =	sst s3  }
0xc: {  	[smem:$0x3FB0] =	sst s4  }
0xd: {  	[smem:$0x3FB1] =	sst s5  }
0xe: {  	[smem:$0x3FB2] =	sst s6  }
0xf: {  	[smem:$0x3FB3] =	sst s7  }
0x10: {  	[smem:$0x3FB4] =	sst s8  }
0x11: {  	[smem:$0x3FB5] =	sst s9;
	s0 =	simm.s32 @!p0 $0x0  }
0x12: {  	s1 =	sld [smem:$0x3F9B];
	s0 =	simm.s32 @p0 $0x1  }
0x13: {  	[smem:$0x3FB6] =	sst s0;
	s0 =	simm.s32 @!p1 $0x0  }
0x14: {  	s2 =	sld [smem:$0x3F9A];
	s0 =	simm.s32 @p1 $0x1  }
0x15: {  	[smem:$0x3FB7] =	sst s0;
	s0 =	simm.s32 @!p2 $0x0  }
0x16: {  	s3 =	sld [smem:$0x3FDB];
	s0 =	simm.s32 @p2 $0x1  }
0x17: {  	s4 =	simm.s32 $0x1BF5;
	[smem:$0x3FB9] =	sst s0  }
0x18: {  	s0 =	sld [smem:$0x3F9C];
	_ =	swait.ge [sflag:s4], $0x0  }
0x19: {  	s7 =	sld [smem:$0x3F9D]  }
0x1a: {  	s8 =	sadd.s32 $0xFFFFE003, lr  }
0x1b: {  	s9 =	sadd.s32 $0xFFFFFEF7, lr;
	s5 =	simm.s32 $0xFFFFFFFF;
	p2 =	slt.u32 s8, $0xFFFFF086  }
0x1c: {  	p1 =	slt.u32 s9, $0xF7A;
	s5 =	simm.s32 @!p2 $0x0  }
0x1d: {  	s5 =	simm.s32 @p1 $0x1;
	p0 =	seq.s32 s7, s2  }
0x1e: {  	s7 =	smul.u32 @!p0 $0xF7A, s2;
	p2 =	seq.s32 @!p0 s5, $0x0  }
0x1f: {  	s9 =	smul.u32 $0xF7A, s1;
	s8 =	simm.s32 @!p0 $0x1BF5;
	p2 =	por !p2, p0  }
0x20: {  	[sflag:s8] =	ssyncset.s32 @!p0 $0xFFFFF086;
	s6 =	sadd.s32 @!p0 s3, s7;
	s7 =	simm.s32 @!p0 $0x108  }
0x21: {  	s3 =	sadd.s32 s3, s9;
	s6 =	sadd.s32 @!p0 $0x88, s6;
	s7 =	simm.s32 @p2 $0x1082  }
0x22: {  	[simem:s7], [sflag:s8] =	dma.local @!p0 [hbm:s6], $0xF7A  }
0x23: {  	s9 =	sor.u32 $0xD0000000, s2;
	s6 =	simm.s32 $0x108;
	_ =	swait.ge @!p0 [sflag:s8], $0x0  }
0x24: {  	s3 =	sadd.s32 $0x88, s3;
	s6 =	simm.s32 @!p1 $0x1082;
	[sflag:s4] =	ssyncset.s32 $0xFFFFF086  }
0x25: {  	[simem:s6], [sflag:s4] =	dma.local [hbm:s3], $0xF7A  }
0x26: {  	[smem:$0x3F9D] =	sst s1;
	(tag) =	ssettag s2;
	_ =	strace s9  }
0x27: {  	s1 =	sld [smem:$0x3FAD]  }
0x28: {  	s2 =	sld [smem:$0x3FAE]  }
0x29: {  	s4 =	sld [smem:$0x3FB0]  }
0x2a: {  	p0 =	seq.s32 s5, $0x0;
	s5 =	sld [smem:$0x3FB1]  }
0x2b: {  	s6 =	sld [smem:$0x3FB2]  }
0x2c: {  	s7 =	sld [smem:$0x3FB3]  }
0x2d: {  	s3 =	simm.s32 $0x108;
	s8 =	sld [smem:$0x3FB4]  }
0x2e: {  	s3 =	simm.s32 @!p0 $0x1082;
	s9 =	sld [smem:$0x3FB5]  }
0x2f: {  	lr =	sadd.s32 s0, s3;
	s0 =	sld [smem:$0x3FAC]  }
0x30: {  	s3 =	sld [smem:$0x3FAF]  }
0x31: {  	[smem:$0x3FB8] =	sst s10  }
0x32: {  	s10 =	sld [smem:$0x3FB6];
	_ =	sdelay $0x3  }
0x33: {  	p0 =	seq.s32 s10, $0x1;
	s10 =	sld [smem:$0x3FB8];
	_ =	sdelay $0x3  }
0x34: {  	[smem:$0x3FB8] =	sst s10  }
0x35: {  	s10 =	sld [smem:$0x3FB7];
	_ =	sdelay $0x3  }
0x36: {  	p1 =	seq.s32 s10, $0x1;
	s10 =	sld [smem:$0x3FB8];
	_ =	sdelay $0x3  }
0x37: {  	[smem:$0x3FB8] =	sst s10  }
0x38: {  	s10 =	sld [smem:$0x3FB9]  }
0x39: {  	_ = 	snop;
	(pc) =	sbr.ind lr, $3  }
0x3a: {  	_ = 	snop  }
0x3b: {  	_ = 	snop  }
0x3c: {  	p2 =	seq.s32 s10, $0x1;
	s10 =	sld [smem:$0x3FB8]  }
0x3d: {  	_ =	shalt  }
0x3e: {  	_ =	shalt  }
0x3f: {  	_ =	shalt  }
0x40: {  	_ =	shalt  }
0x41: {  	_ =	shalt  }
0x42: {  	_ =	shalt  }
0x43: {  	_ =	shalt  }
0x44: {  	_ =	shalt  }
0x45: {  	_ =	shalt  }
0x46: {  	_ =	shalt  }
0x47: {  	_ =	shalt  }
0x48: {  	_ =	shalt  }
0x49: {  	_ =	shalt  }
0x4a: {  	_ =	shalt  }
0x4b: {  	_ =	shalt  }
0x4c: {  	_ =	shalt  }
0x4d: {  	_ =	shalt  }
0x4e: {  	_ =	shalt  }
0x4f: {  	_ =	shalt  }
0x50: {  	_ =	shalt  }
0x51: {  	_ =	shalt  }
0x52: {  	_ =	shalt  }
0x53: {  	_ =	shalt  }
0x54: {  	_ =	shalt  }
0x55: {  	_ =	shalt  }
0x56: {  	_ =	shalt  }
0x57: {  	_ =	shalt  }
0x58: {  	_ =	shalt  }
0x59: {  	_ =	shalt  }
0x5a: {  	_ =	shalt  }
0x5b: {  	_ =	shalt  }
0x5c: {  	_ =	shalt  }
0x5d: {  	_ =	shalt  }
0x5e: {  	_ =	shalt  }
0x5f: {  	_ =	shalt  }
0x60: {  	_ =	shalt  }
0x61: {  	_ =	shalt  }
0x62: {  	_ =	shalt  }
0x63: {  	_ =	shalt  }
0x64: {  	_ =	shalt  }
0x65: {  	_ =	shalt  }
0x66: {  	_ =	shalt  }
0x67: {  	_ =	shalt  }
0x68: {  	_ =	shalt  }
0x69: {  	_ =	shalt  }
0x6a: {  	_ =	shalt  }
0x6b: {  	_ =	shalt  }
0x6c: {  	_ =	shalt  }
0x6d: {  	_ =	shalt  }
0x6e: {  	_ =	shalt  }
0x6f: {  	_ =	shalt  }
0x70: {  	_ =	shalt  }
0x71: {  	_ =	shalt  }
0x72: {  	_ =	shalt  }
0x73: {  	_ =	shalt  }
0x74: {  	_ =	shalt  }
0x75: {  	_ =	shalt  }
0x76: {  	_ =	shalt  }
0x77: {  	_ =	shalt  }
0x78: {  	_ =	shalt  }
0x79: {  	_ =	shalt  }
0x7a: {  	_ =	shalt  }
0x7b: {  	_ =	shalt  }
0x7c: {  	_ =	shalt  }
0x7d: {  	_ =	shalt  }
0x7e: {  	_ =	shalt  }
0x7f: {  	_ =	shalt  }
0x80: {  	_ =	shalt  }
0x81: {  	_ =	shalt  }
0x82: {  	_ =	shalt  }
0x83: {  	_ =	shalt  }
0x84: {  	_ =	shalt  }
0x85: {  	_ =	shalt  }
0x86: {  	_ =	shalt  }
0x87: {  	_ =	shalt  }
.Lfunc_end0:
.L_simem_size_0:
called_computation_lowered:
.L_overlay_start_0:
0x88: {  	s2 =	sld [smem:$0x3FD9]  }
0x89: {  	s3 =	sld [smem:$0x3FFE];
	_ =	sdelay $0x1  }
0x8a: {  	s1 =	srdreg.scid  }
0x8b: {  	s0 =	sand.u32 $0x1, s1  }
0x8c: {  	s14 =	sshll.u32 s0, $0xA;
	s2 =	sadd.s32 s3, s2  }
0x8d: {  	s2 =	sadd.s32 s2, s14  }
0x8e: {  	[smem:$0x3FC4] =	sst s2  }
0x8f: {  	_ = 	snop  }
0x90: {  	s2 =	sld [smem:$0x3FD0];
	_ =	sdelay $0x1  }
0x91: {  	s15 =	sld [smem:$0x3FC9]  }
0x92: {  	s5 =	simm.s32 $0xA;
	s6 =	simm.s32 $0x10;
	s4 =	sld [smem:$0x3FC8]  }
0x93: {  	[smem:s6], [sflag:s5] =	dma.local [hbm:s2], $0x1  }
0x94: {  	_ =	swait.eq [sflag:s5], $0x1  }
0x95: {  	[sflag:s5] =	ssyncset.done $0x0  }
0x96: {  	s16 =	sld [smem:$0x10];
	[sflag:s5] =	ssyncadd.s32 $0xFFFFFFFF  }
0x97: {  	s17 =	sld [smem:$0x11];
	(tm) =	ssettm $0x1  }
0x98: {  	s18 =	sld [smem:$0x3FFB];
	_ =	sdelay $0x3  }
0x99: {  	_ =	strace s18  }
0x9a: {  	s6 =	sld [smem:$0x3FFC];
	_ =	sdelay $0x3  }
0x9b: {  	_ =	strace s6  }
0x9c: {  	s6 =	sld [smem:$0x3FFD];
	_ =	sdelay $0x3  }
0x9d: {  	_ =	strace s6  }
0x9e: {  	_ =	strace $0x8FFFFFFF  }
0x9f: {  	s19 =	sld [smem:$0x3FDB];
	_ =	sdelay $0x1  }
0xa0: {  	s7 =	simm.s32 $_scs_section_size  }
0xa1: {  	s8 =	simm.s32 $_size__tile_overlayer_lowered;
	s9 =	simm.s32 $_tile_overlayer_lowered  }
0xa2: {  	s22 =	simm.s32 $0x1BFF;
	s21 =	sshll.u32 s9, $0x1;
	s6 =	sadd.s32 s7, s19  }
0xa3: {  	s10 =	simm.s32 $0x0;
	s20 =	sshll.u32 s8, $0x1;
	s8 =	sadd.s32 s21, s6  }
0xa4: {  	[timem:s10], [sflag:s22] =	dma.local [hbm:s8], s20  }
0xa5: {  	_ =	swait.ge [sflag:s22], s20  }
0xa6: {  	s7 =	ssub.s32 $0x0, s20;
	[sflag:s22] =	ssyncset.done $0x0  }
0xa7: {  	[sflag:s22] =	ssyncadd.s32 s7;
	_ =	sdelay $0x1  }
0xa8: {  	s23 =	simm.s32 $0x1B8B  }
0xa9: {  	_ =	swait.ge [sflag:s23], $0x1  }
0xaa: {  	[sflag:s23] =	ssyncset.done $0x0  }
0xab: {  	s25 =	simm.s32 $0x1B8E;
	s24 =	sld [smem:$0x3FFE];
	[sflag:s23] =	ssyncadd.s32 $0xFFFFFFFF  }
0xac: {  	s26 =	simm.s32 $execute0_lowered;
	[smem:$0x3FD2] =	sst s25  }
0xad: {  	s8 =	sshll.u32 s26, $0x1;
	_ =	strace $0x80000046;
	[dreg:$0x1] =	wrdreg $0xFFFFFFFF  }
0xae: {  	s28 =	simm.s32 $_size_execute0_lowered;
	s6 =	sadd.s32 s6, s8;
	[dreg:$0x0] =	wrdreg $0x0  }
0xaf: {  	s8 =	sshll.u32 s28, $0x1;
	[dreg:$0x2] =	wrdreg s6  }
0xb0: {  	[dreg:$0x3] =	wrdreg s8  }
0xb1: {  	[dreg:$0x4] =	wrdreg $0xC0  }
0xb2: {  	_ =	task [dreg:s10], $0x5FFFF  }
0xb3: {  	[dreg:$0x1] =	wrdreg $0xFFFFFFFF  }
0xb4: {  	[dreg:$0x0] =	wrdreg $0x60  }
0xb5: {  	[dreg:$0x2] =	wrdreg s15  }
0xb6: {  	[dreg:$0x3] =	wrdreg s4  }
0xb7: {  	[dreg:$0x4] =	wrdreg s24  }
0xb8: {  	[dreg:$0x5] =	wrdreg s16  }
0xb9: {  	[dreg:$0x6] =	wrdreg s17  }
0xba: {  	[dreg:$0x7] =	wrdreg $0x9  }
0xbb: {  	_ =	task.clear_ibuf [dreg:s10], $0x8FFFF;
	_ =	strace $0x90000046  }
0xbc: {  	s29 =	simm.s32 $0x9;
	_ =	strace $0x80000048  }
0xbd: {  	_ =	swait.ge [sflag:s29], $0x1  }
0xbe: {  	[sflag:s29] =	ssyncadd.s32 $0xFFFFFFFF  }
0xbf: {  	_ =	strace $0x90000048  }
0xc0: {  	_ =	sfence  }
0xc1: {  	s30 =	sld [smem:$0x0];
	_ =	sdelay $0x2  }
0xc2: {  	s31 =	sshll.u32 s1, $0xD;
	s1 =	sshrl.u32 s1, $0x2  }
0xc3: {  	s3 =	sand.u32 $0x4000, s31;
	s1 =	sadd.s32 s1, s30  }
0xc4: {  	s0 =	sor.u32 s3, s0;
	s1 =	sshll.u32 s1, $0x11  }
0xc5: {  	s0 =	sor.u32 s1, s0  }
0xc6: {  	s0 =	sadd.s32 $0x8F2B, s0  }
0xc7: {  	[sflag:s0] =	ssyncadd.remote.s32 $0x1  }
0xc8: {  	_ =	sfence.sel $0xFFFF  }
0xc9: {  	[dreg:$0x0] =	wrdreg $0xFFFFFFFF;
	(pc) =	sbr.abs _section_cstart, $3  }
0xca: {  	[dreg:$0x1] =	wrdreg $0xFFFFFFFF  }
0xcb: {  	_ =	task.clear_ibuf [dreg:s10], $0x2FFFF;
	_ =	strace $0x9FFFFFFF  }
0xcc: {  	(tm) =	ssettm $0x7FFFFFFF  }
0xcd: {  	_ =	shalt  }
tec
execute0_lowered:
.L_overlay_start_1:
0x0: {  	(tag) =	ssettag $0x1  }
0x1: {  	s0 =	rddreg [dreg:$0x0]  }
0x2: {  	s6 =	rddreg [dreg:$0x1]  }
0x3: {  	s4 =	rddreg [dreg:$0x2]  }
0x4: {  	s7 =	rddreg [dreg:$0x3]  }
0x5: {  	s8 =	rddreg [dreg:$0x4];
	s2 =	simm.s32 $0x0;
	s3 =	srdreg.scid  }
0x6: {  	s1 =	stileid.u32;
	s13 =	simm.s32 $0x80;
	s14 =	simm.s32 $0x200  }
0x7: {  	s15 =	simm.s32 $0x10400;
	s16 =	simm.s32 $0x12400;
	s17 =	simm.s32 $0x12480  }
0x8: {  	s18 =	simm.s32 $0x12880;
	s19 =	simm.s32 $0x0;
	[smem:$0x7FF] =	sst s2  }
0x9: {  	s5 =	sand.u32 $0x1, s3;
	s3 =	sadd.s32 $0x600, s4;
	s10 =	sshll.u32 s1, $0x1  }
0xa: {  	s4 =	sadd.s32 $0xA00, s4;
	s29 =	sshrl.u32 s1, $0x2;
	s9 =	ssub.s32 $0x2, s5  }
0xb: {  	s10 =	sand.u32 $0x6, s10;
	s30 =	sshll.u32 s29, $0x10;
	s11 =	sshrl.u32 s9, $0x1  }
0xc: {  	s5 =	sor.u32 s5, s10;
	s0 =	sadd.s32 s0, s30;
	s9 =	ssub.s32 s9, s11  }
0xd: {  	s12 =	sshll.u32 s5, $0x9;
	s11 =	sshll.u32 s29, $0x4;
	s5 =	sshll.u32 s5, $0xA  }
0xe: {  	_ =	strace $0x80000047;
	s31 =	sor.u32 s11, s12;
	s5 =	sadd.s32 s5, s0  }
0xf: {  	s9 =	smax.u32 s9, $0x1;
	s11 =	simm.s32 $0x10000;
	s12 =	simm.s32 $0x1  }
0x10: {  	s6 =	sadd.s32 s6, s31;
	s7 =	sadd.s32 s7, s31;
	s8 =	sadd.s32 s8, s31  }
.LBB2_1:
0x11: {  	s0 =	simm.s32 $0x2000  }
0x12: {  	[tilespmem:s2], [sflag:$0x1] =	stream.strided.gather [hbm4b:s5+s0], $0x10000, s11, s0, $0x38;
	[tilespmem:$0x12C80] =	vst v63  }
0x13: {  	_ =	swait.ge [sflag:s12], $0x10000  }
0x14: {  	[sflag:s12] =	ssyncset.done $0x0  }
0x15: {  	[sflag:s12] =	ssyncadd.s32 $0xFFFF0000  }
0x16: {  	[tilespmem:s11], [sflag:$0x1] =	stream.strided.gather [hbm4b:s6+s13], $0x400, s14, s13, $0x38;
	[tilespmem:$0x12C80] =	vst v63  }
0x17: {  	_ =	swait.ge [sflag:s12], $0x400  }
0x18: {  	[sflag:s12] =	ssyncset.done $0x0  }
0x19: {  	[sflag:s12] =	ssyncadd.s32 $0xFFFFFC00  }
0x1a: {  	[tilespmem:s15], [sflag:$0x1] =	stream.linear.gather [hbm4b:s3+s2], $0x2000, $0x38;
	[tilespmem:$0x12C80] =	vst v63  }
0x1b: {  	_ =	swait.ge [sflag:s12], $0x2000  }
0x1c: {  	[sflag:s12] =	ssyncset.done $0x0  }
0x1d: {  	[sflag:s12] =	ssyncadd.s32 $0xFFFFE000  }
0x1e: {  	[tilespmem:s16], [sflag:$0x1] =	stream.linear.gather [hbm4b:s4+s2], $0x80, $0x38;
	[tilespmem:$0x12C80] =	vst v63  }
0x1f: {  	_ =	swait.ge [sflag:s12], $0x80  }
0x20: {  	[sflag:s12] =	ssyncset.done $0x0  }
0x21: {  	[sflag:s12] =	ssyncadd.s32 $0xFFFFFF80  }
0x22: {  	v0 =	vld [tilespmem:$0x12400];
	_ =	sdelay $0x4  }
0x23: {  	s20 =	simm.s32 $0x0;
	[tilespmem:$0x1FFF0] =	vst v0  }
.LBB2_2:
0x24: {  	s25 =	sshll.u32 s20, $0x6  }
0x25: {  	s26 =	sand.u32 $0x40, s25  }
0x26: {  	s0 =	sshll.u32 s20, $0x9;
	s10 =	simm.s32 $0x0;
	v8 =	vmov s26  }
0x27: {  	s28 =	simm.s32 $0x180;
	s30 =	simm.s32 $0x100;
	s24 =	sor.u32 $0x10, s26  }
0x28: {  	s21 =	sand.u32 $0x1C00, s0;
	s0 =	sand.u32 $0xE000, s10;
	s23 =	sor.u32 $0x20, s26;
	v14 =	vmov s24  }
0x29: {  	s29 =	sand.u32 $0x380, s28;
	s22 =	sor.u32 $0x30, s26;
	s0 =	sor.u32 s0, s21;
	v15 =	vmov s23  }
0x2a: {  	s30 =	sand.u32 $0x300, s30;
	v16 =	vmov s22;
	s29 =	sadd.s32 s29, s0  }
0x2b: {  	s30 =	sadd.s32 s30, s0;
	v0 =	vld.idx.msk [tilespmem:v8+s29+$0x0 ss:$0x1], $0xffff  }
0x2c: {  	v4 =	vld.idx.msk [tilespmem:v8+s30+$0x0 ss:$0x1], $0xffff  }
0x2d: {  	v1 =	vld.idx.msk [tilespmem:v14+s29+$0x0 ss:$0x1], $0xffff  }
0x2e: {  	v2 =	vld.idx.msk [tilespmem:v15+s29+$0x0 ss:$0x1], $0xffff  }
0x2f: {  	v3 =	vld.idx.msk [tilespmem:v16+s29+$0x0 ss:$0x1], $0xffff  }
0x30: {  	s29 =	simm.s32 $0x80;
	v5 =	vld.idx.msk [tilespmem:v14+s30+$0x0 ss:$0x1], $0xffff  }
0x31: {  	v6 =	vld.idx.msk [tilespmem:v15+s30+$0x0 ss:$0x1], $0xffff;
	s29 =	sand.u32 $0x280, s29  }
0x32: {  	v7 =	vld.idx.msk [tilespmem:v16+s30+$0x0 ss:$0x1], $0xffff;
	s29 =	sadd.s32 s29, s0  }
0x33: {  	s30 =	simm.s32 $0x0;
	v9 =	vld.idx.msk [tilespmem:v8+s29+$0x0 ss:$0x1], $0xffff  }
0x34: {  	s30 =	sand.u32 $0x200, s30;
	v11 =	vld.idx.msk [tilespmem:v15+s29+$0x0 ss:$0x1], $0xffff  }
0x35: {  	s0 =	sadd.s32 s30, s0;
	v12 =	vld.idx.msk [tilespmem:v16+s29+$0x0 ss:$0x1], $0xffff  }
0x36: {  	[tilespmem:$0x1FEF0] =	vst v8;
	v13 =	vld.idx.msk [tilespmem:v8+s0+$0x0 ss:$0x1], $0xffff  }
0x37: {  	v60 =	vimm.f32 $0.0e+00;
	[tilespmem:$0x1FF10] =	vst v15;
	v18 =	vld.idx.msk [tilespmem:v15+s0+$0x0 ss:$0x1], $0xffff  }
0x38: {  	[tilespmem:$0x1FF20] =	vst v16;
	v21 =	vld.idx.msk [tilespmem:v16+s0+$0x0 ss:$0x1], $0xffff;
	v8 =	vshrl.u32 v0, $0x10;
	v16 =	vshrl.u32 v4, $0x10;
	v15 =	vshrl.u32 v1, $0x10  }
0x39: {  	v17 =	vshrl.u32 v2, $0x10;
	v19 =	vshrl.u32 v3, $0x10;
	v20 =	vshrl.u32 v5, $0x10  }
0x3a: {  	v22 =	vshrl.u32 v6, $0x10;
	v23 =	vshrl.u32 v7, $0x10;
	v8 =	vand.u32 $0x1, v8  }
0x3b: {  	v10 =	vld.idx.msk [tilespmem:v14+s29+$0x0 ss:$0x1], $0xffff;
	v16 =	vand.u32 $0x1, v16;
	v15 =	vand.u32 $0x1, v15;
	v17 =	vand.u32 $0x1, v17  }
0x3c: {  	[tilespmem:$0x1FF00] =	vst v14;
	v14 =	vld.idx.msk [tilespmem:v14+s0+$0x0 ss:$0x1], $0xffff;
	v19 =	vand.u32 $0x1, v19;
	v20 =	vand.u32 $0x1, v20;
	v22 =	vand.u32 $0x1, v22  }
0x3d: {  	v23 =	vand.u32 $0x1, v23;
	v0 =	vadd.s32 v8, v0;
	v32 =	vadd.s32 v16, v4  }
0x3e: {  	v1 =	vadd.s32 v15, v1;
	v2 =	vadd.s32 v17, v2;
	v33 =	vadd.s32 v20, v5  }
0x3f: {  	v3 =	vadd.s32 v19, v3;
	v22 =	vadd.s32 v22, v6;
	v23 =	vadd.s32 v23, v7  }
0x40: {  	v0 =	vadd.s32 $0x7FFF, v0;
	v24 =	vshrl.u32 v9, $0x10;
	v25 =	vshrl.u32 v10, $0x10  }
0x41: {  	v26 =	vshrl.u32 v11, $0x10;
	v27 =	vshrl.u32 v13, $0x10;
	v28 =	vshrl.u32 v14, $0x10  }
0x42: {  	v29 =	vshrl.u32 v12, $0x10;
	v30 =	vshrl.u32 v18, $0x10;
	v31 =	vshrl.u32 v21, $0x10  }
0x43: {  	s29 =	simm.s32 $0x10500;
	v1 =	vadd.s32 $0x7FFF, v1;
	v2 =	vadd.s32 $0x7FFF, v2;
	v3 =	vadd.s32 $0x7FFF, v3  }
0x44: {  	v39 =	vld [tilespmem:s29+$0xD0];
	v34 =	vand.u32 $0xFFFF0000, v0;
	v51 =	vadd.s32 $0x7FFF, v33;
	v22 =	vadd.s32 $0x7FFF, v22  }
0x45: {  	v44 =	vld [tilespmem:s29+$0xF0];
	v23 =	vadd.s32 $0x7FFF, v23;
	v24 =	vand.u32 $0x1, v24;
	v25 =	vand.u32 $0x1, v25  }
0x46: {  	v4 =	vld [tilespmem:s29+$0x90];
	v27 =	vand.u32 $0x1, v27;
	v26 =	vand.u32 $0x1, v26;
	v29 =	vand.u32 $0x1, v29  }
0x47: {  	v28 =	vand.u32 $0x1, v28;
	v30 =	vand.u32 $0x1, v30;
	v31 =	vand.u32 $0x1, v31  }
0x48: {  	v15 =	vld [tilespmem:s29+$0x80];
	v35 =	vand.u32 $0xFFFF0000, v1;
	v8 =	vand.u32 $0xFFFF0000, v2;
	v43 =	vand.u32 $0xFFFF0000, v3  }
0x49: {  	v22 =	vand.u32 $0xFFFF0000, v22;
	v24 =	vadd.s32 v24, v9;
	v25 =	vadd.s32 v25, v10  }
0x4a: {  	v0 =	vld [tilespmem:s29+$0xA0];
	v26 =	vadd.s32 v26, v11;
	v29 =	vadd.s32 v29, v12;
	v58 =	vmul.f32 v43, v39  }
0x4b: {  	v27 =	vadd.s32 v27, v13;
	v63 =	vmul.f32 v35, v44;
	v41 =	vmul.f32 v34, v4  }
0x4c: {  	v2 =	vld [tilespmem:s29+$0xC0];
	v28 =	vadd.s32 v28, v14;
	v19 =	vmul.f32 v35, v4;
	v20 =	vmul.f32 v8, v4  }
0x4d: {  	v30 =	vadd.s32 v30, v18;
	v5 =	vmul.f32 v43, v4;
	v36 =	vmul.f32 v34, v15  }
0x4e: {  	v18 =	vadd.s32 $0x7FFF, v32;
	v37 =	vmul.f32 v35, v15;
	v38 =	vmul.f32 v8, v15  }
0x4f: {  	v21 =	vadd.s32 v31, v21;
	v40 =	vmul.f32 v43, v15;
	v17 =	vmul.f32 v34, v0  }
0x50: {  	v54 =	vand.u32 $0xFFFF0000, v18;
	v16 =	vmul.f32 v35, v0;
	v13 =	vmul.f32 v8, v0  }
0x51: {  	v18 =	vand.u32 $0xFFFF0000, v51;
	v15 =	vmul.f32 v43, v0;
	v7 =	vmul.f32 v34, v2  }
0x52: {  	v33 =	vld [tilespmem:s29+$0x0];
	v24 =	vadd.s32 $0x7FFF, v24;
	v9 =	vmul.f32 v35, v2;
	v10 =	vmul.f32 v8, v2  }
0x53: {  	v1 =	vld [tilespmem:s29+$0xB0];
	v25 =	vadd.s32 $0x7FFF, v25;
	v0 =	vmul.f32 v43, v2;
	v2 =	vmul.f32 v34, v39  }
0x54: {  	v14 =	vld [tilespmem:s29+$0xE0];
	v26 =	vadd.s32 $0x7FFF, v26;
	v29 =	vadd.s32 $0x7FFF, v29;
	v27 =	vadd.s32 $0x7FFF, v27  }
0x55: {  	v28 =	vadd.s32 $0x7FFF, v28;
	v30 =	vadd.s32 $0x7FFF, v30;
	[tilespmem:$0x1FF30] =	vst v2;
	v2 =	vmul.f32 v35, v39  }
0x56: {  	v31 =	vld [tilespmem:s29+$0xFFFFFF00];
	v21 =	vadd.s32 $0x7FFF, v21;
	v57 =	vand.u32 $0xFFFF0000, v24;
	v53 =	vand.u32 $0xFFFF0000, v25  }
0x57: {  	v62 =	vand.u32 $0xFFFF0000, v27;
	v32 =	vmul.f32 v18, v33;
	[tilespmem:$0x1FF40] =	vst v2;
	v2 =	vmul.f32 v8, v39  }
0x58: {  	v45 =	vand.u32 $0xFFFF0000, v26;
	v12 =	vmul.f32 v34, v1;
	v3 =	vmul.f32 v35, v1  }
0x59: {  	v4 =	vmul.f32 v8, v1;
	v39 =	vand.u32 $0xFFFF0000, v29;
	v29 =	vld [tilespmem:s29+$0xFFFFFF90];
	[tilespmem:$0x1FF50] =	vst v2;
	v2 =	vmul.f32 v34, v14  }
0x5a: {  	v56 =	vand.u32 $0xFFFF0000, v28;
	v1 =	vmul.f32 v43, v1;
	v61 =	vmul.f32 v8, v14  }
0x5b: {  	v50 =	vand.u32 $0xFFFF0000, v30;
	v24 =	vmul.f32 v62, v31;
	[tilespmem:$0x1FF60] =	vst v2;
	v2 =	vmul.f32 v35, v14;
	v35 =	vld [tilespmem:s29+$0xFFFFFF80]  }
0x5c: {  	v42 =	vand.u32 $0xFFFF0000, v21;
	v51 =	vmul.f32 v43, v14;
	v21 =	vmul.f32 v56, v31  }
0x5d: {  	v28 =	vmul.f32 v50, v31;
	v30 =	vmul.f32 v42, v31;
	v24 =	vadd.f32 v24, v60  }
0x5e: {  	v25 =	vld [tilespmem:s29+$0x10];
	v14 =	vand.u32 $0xFFFF0000, v23;
	v23 =	vmul.f32 v54, v33;
	v52 =	vmul.f32 v53, v29  }
0x5f: {  	v21 =	vadd.f32 v21, v60;
	[tilespmem:$0x1FF70] =	vst v2;
	v2 =	vmul.f32 v34, v44;
	v34 =	vmul.f32 v22, v33  }
0x60: {  	v28 =	vadd.f32 v28, v60;
	v26 =	vmul.f32 v57, v35;
	v27 =	vmul.f32 v53, v35  }
0x61: {  	v30 =	vadd.f32 v30, v60;
	v31 =	vmul.f32 v45, v35;
	v35 =	vmul.f32 v39, v35  }
0x62: {  	v33 =	vmul.f32 v14, v33;
	v24 =	vadd.f32 v26, v24;
	v26 =	vld [tilespmem:s29+$0xFFFFFF10];
	v21 =	vadd.f32 v27, v21  }
0x63: {  	v59 =	vld [tilespmem:s29+$0x20];
	v27 =	vmul.f32 v54, v25;
	v28 =	vadd.f32 v31, v28;
	v30 =	vadd.f32 v35, v30  }
0x64: {  	v31 =	vmul.f32 v18, v25;
	v35 =	vmul.f32 v22, v25;
	v23 =	vadd.f32 v23, v24  }
0x65: {  	v25 =	vmul.f32 v14, v25;
	v28 =	vadd.f32 v34, v28;
	v30 =	vadd.f32 v33, v30  }
0x66: {  	[tilespmem:$0x1FF80] =	vst v2;
	v24 =	vmul.f32 v57, v29;
	v21 =	vadd.f32 v32, v21;
	v2 =	vadd.f32 v36, v23  }
0x67: {  	v48 =	vadd.f32 v38, v28;
	v47 =	vadd.f32 v40, v30;
	v55 =	vmul.f32 v62, v26  }
0x68: {  	v30 =	vld [tilespmem:s29+$0xFFFFFF20];
	v40 =	vmul.f32 v54, v59;
	v36 =	vimm.f32 $0.0e+00;
	v23 =	vmul.f32 v56, v26  }
0x69: {  	[tilespmem:$0x1FF90] =	vst v2;
	v2 =	vadd.f32 v37, v21;
	v21 =	vmul.f32 v50, v26;
	v28 =	vadd.f32 v55, v60  }
0x6a: {  	v38 =	vld [tilespmem:s29+$0xFFFFFFA0];
	v26 =	vmul.f32 v42, v26;
	v37 =	vimm.f32 $0.0e+00;
	v23 =	vadd.f32 v23, v60  }
0x6b: {  	v21 =	vadd.f32 v21, v60;
	v24 =	vadd.f32 v24, v28;
	v28 =	vmul.f32 v45, v29  }
0x6c: {  	v26 =	vadd.f32 v26, v60;
	v29 =	vmul.f32 v39, v29;
	v23 =	vadd.f32 v52, v23  }
0x6d: {  	v49 =	vmul.f32 v62, v30;
	v21 =	vadd.f32 v28, v21;
	v24 =	vadd.f32 v27, v24  }
0x6e: {  	v28 =	vmul.f32 v18, v59;
	v26 =	vadd.f32 v29, v26;
	v29 =	vmul.f32 v22, v59  }
0x6f: {  	[tilespmem:$0x1FFA0] =	vst v2;
	v27 =	vmul.f32 v57, v38;
	v23 =	vadd.f32 v31, v23;
	v2 =	vadd.f32 v41, v24  }
0x70: {  	v31 =	vmul.f32 v53, v38;
	v21 =	vadd.f32 v35, v21;
	v25 =	vadd.f32 v25, v26  }
0x71: {  	v26 =	vld [tilespmem:s29+$0x30];
	v24 =	vmul.f32 v56, v30;
	v41 =	vimm.f32 $0.0e+00;
	[tilespmem:$0x1FFB0] =	vst v2;
	v2 =	vadd.f32 v19, v23  }
0x72: {  	v35 =	vimm.f32 $0.0e+00;
	v52 =	vadd.f32 v20, v21;
	v20 =	vadd.f32 v49, v60  }
0x73: {  	v19 =	vmul.f32 v50, v30;
	v21 =	vld [tilespmem:s29+$0xFFFFFFB0];
	v23 =	vmul.f32 v42, v30;
	v46 =	vadd.f32 v5, v25  }
0x74: {  	v5 =	vadd.f32 v24, v60;
	v24 =	vld [tilespmem:s29+$0xFFFFFF30];
	v25 =	vmul.f32 v45, v38;
	v20 =	vadd.f32 v27, v20  }
0x75: {  	v30 =	vmul.f32 v39, v38;
	v19 =	vadd.f32 v19, v60;
	v23 =	vadd.f32 v23, v60  }
0x76: {  	v27 =	vmul.f32 v14, v59;
	v5 =	vadd.f32 v31, v5;
	v31 =	vmul.f32 v54, v26  }
0x77: {  	v19 =	vadd.f32 v25, v19;
	v25 =	vmul.f32 v18, v26;
	v23 =	vadd.f32 v30, v23  }
0x78: {  	v30 =	vmul.f32 v22, v26;
	v20 =	vadd.f32 v40, v20;
	v5 =	vadd.f32 v28, v5  }
0x79: {  	v59 =	vmul.f32 v57, v21;
	v28 =	vmul.f32 v62, v24;
	v19 =	vadd.f32 v29, v19  }
0x7a: {  	v55 =	vld [tilespmem:s29+$0x70];
	v23 =	vadd.f32 v27, v23;
	v29 =	vmul.f32 v53, v21;
	v40 =	vadd.f32 v17, v20  }
0x7b: {  	v27 =	vld [tilespmem:s29+$0x40];
	v17 =	vmul.f32 v56, v24;
	v38 =	vadd.f32 v16, v5;
	v5 =	vmul.f32 v50, v24  }
0x7c: {  	v20 =	vmul.f32 v42, v24;
	v16 =	vadd.f32 v28, v60;
	v33 =	vadd.f32 v13, v19  }
0x7d: {  	v49 =	vadd.f32 v15, v23;
	v15 =	vadd.f32 v17, v60;
	v17 =	vmul.f32 v45, v21  }
0x7e: {  	v13 =	vld [tilespmem:s29+$0xFFFFFFC0];
	v5 =	vadd.f32 v5, v60;
	v20 =	vadd.f32 v20, v60;
	v21 =	vmul.f32 v39, v21  }
0x7f: {  	v19 =	vld [tilespmem:s29+$0xFFFFFF40];
	v23 =	vmul.f32 v14, v26;
	v16 =	vadd.f32 v59, v16;
	v59 =	vmul.f32 v54, v55  }
0x80: {  	v15 =	vadd.f32 v29, v15;
	v5 =	vadd.f32 v17, v5;
	v24 =	vmul.f32 v54, v27  }
0x81: {  	v20 =	vadd.f32 v21, v20;
	v17 =	vmul.f32 v18, v27;
	v11 =	vmul.f32 v22, v27  }
0x82: {  	v21 =	vmul.f32 v14, v27;
	v16 =	vadd.f32 v31, v16;
	v15 =	vadd.f32 v25, v15  }
0x83: {  	v28 =	vadd.f32 v30, v5;
	v20 =	vadd.f32 v23, v20;
	v27 =	vmul.f32 v57, v13  }
0x84: {  	v25 =	vmul.f32 v53, v13;
	v29 =	vmul.f32 v62, v19;
	v34 =	vadd.f32 v12, v16  }
0x85: {  	v23 =	vld [tilespmem:s29+$0x50];
	v12 =	vmul.f32 v56, v19;
	v16 =	vmul.f32 v42, v19;
	v32 =	vadd.f32 v3, v15  }
0x86: {  	v3 =	vmul.f32 v50, v19;
	v30 =	vadd.f32 v4, v28;
	v26 =	vadd.f32 v1, v20  }
0x87: {  	v5 =	vld [tilespmem:s29+$0xFFFFFF50];
	v19 =	vmul.f32 v45, v13;
	v4 =	vadd.f32 v29, v60;
	v1 =	vadd.f32 v12, v60  }
0x88: {  	v15 =	vld [tilespmem:s29+$0xFFFFFFD0];
	v13 =	vmul.f32 v39, v13;
	v16 =	vadd.f32 v16, v60;
	v3 =	vadd.f32 v3, v60  }
0x89: {  	v31 =	vimm.f32 $0.0e+00;
	v12 =	vadd.f32 v27, v4;
	v1 =	vadd.f32 v25, v1  }
0x8a: {  	v4 =	vmul.f32 v54, v23;
	v13 =	vadd.f32 v13, v16;
	v28 =	vmul.f32 v22, v23  }
0x8b: {  	v29 =	vmul.f32 v14, v23;
	v19 =	vadd.f32 v19, v3;
	v3 =	vmul.f32 v18, v23  }
0x8c: {  	v16 =	vld [tilespmem:s29+$0x60];
	v23 =	vimm.f32 $0.0e+00;
	v12 =	vadd.f32 v24, v12;
	v17 =	vadd.f32 v17, v1  }
0x8d: {  	v20 =	vmul.f32 v57, v15;
	v1 =	vmul.f32 v62, v5;
	v13 =	vadd.f32 v21, v13  }
0x8e: {  	v19 =	vadd.f32 v11, v19;
	v11 =	vmul.f32 v56, v5;
	v25 =	vadd.f32 v7, v12  }
0x8f: {  	v24 =	vadd.f32 v9, v17;
	v7 =	vmul.f32 v53, v15;
	v9 =	vadd.f32 v1, v60  }
0x90: {  	v6 =	vadd.f32 v0, v13;
	v21 =	vadd.f32 v10, v19;
	v10 =	vmul.f32 v50, v5  }
0x91: {  	[tilespmem:$0x1FFC0] =	vst v2;
	v12 =	vld [tilespmem:s29+$0xFFFFFFE0];
	v0 =	vadd.f32 v11, v60;
	v2 =	vmul.f32 v54, v16;
	v27 =	vmul.f32 v18, v16  }
0x92: {  	v1 =	vmul.f32 v14, v16;
	v19 =	vadd.f32 v20, v9;
	v9 =	vmul.f32 v42, v5  }
0x93: {  	v17 =	vadd.f32 v7, v0;
	v0 =	vmul.f32 v45, v15;
	v7 =	vadd.f32 v10, v60  }
0x94: {  	v10 =	vmul.f32 v39, v15;
	[tilespmem:$0x1FFD0] =	vst v1;
	v1 =	vmul.f32 v18, v55;
	v9 =	vadd.f32 v9, v60  }
0x95: {  	v54 =	vimm.f32 $0.0e+00;
	v13 =	vadd.f32 v0, v7;
	v0 =	vmul.f32 v22, v16  }
0x96: {  	s31 =	simm.s32 $0x1000;
	s30 =	simm.s32 $0x0;
	[tilespmem:$0x1FFE0] =	vst v1;
	v16 =	vmul.f32 v57, v12;
	v15 =	vmul.f32 v53, v12;
	v7 =	vadd.f32 v10, v9;
	v9 =	vld [tilespmem:s29+$0xFFFFFF60]  }
.LBB2_3:
0x97: {  	v1 =	vld [tilespmem:$0x1FF30];
	_ =	sdelay $0x2  }
0x98: {  	v4 =	vadd.f32 v4, v19;
	_ =	sdelay $0x1  }
0x99: {  	v1 =	vadd.f32 v1, v4;
	_ =	sdelay $0x1  }
0x9a: {  	[tilespmem:$0x1FEB0] =	vst v1;
	v1 =	vld [tilespmem:$0x1FF40];
	_ =	sdelay $0x2  }
0x9b: {  	v3 =	vadd.f32 v3, v17;
	_ =	sdelay $0x1  }
0x9c: {  	v1 =	vadd.f32 v1, v3;
	v3 =	vld [tilespmem:$0x1FF50];
	_ =	sdelay $0x2  }
0x9d: {  	v13 =	vadd.f32 v28, v13;
	_ =	sdelay $0x1  }
0x9e: {  	v7 =	vadd.f32 v29, v7;
	v10 =	vmul.f32 v62, v9;
	v3 =	vadd.f32 v3, v13;
	_ =	sdelay $0x1  }
0x9f: {  	[tilespmem:$0x1FED0] =	vst v3;
	v3 =	vadd.f32 v58, v7;
	v7 =	vadd.f32 v10, v60;
	_ =	sdelay $0x1  }
0xa0: {  	v7 =	vadd.f32 v16, v7  }
0xa1: {  	[tilespmem:$0x1FD50] =	vst v30;
	v30 =	vld [tilespmem:$0x1FF20];
	v4 =	vmul.f32 v42, v9  }
0xa2: {  	v7 =	vadd.f32 v2, v7;
	v2 =	vld [tilespmem:$0x1FFD0]  }
0xa3: {  	v29 =	vld [tilespmem:$0x1FF10];
	v4 =	vadd.f32 v4, v23;
	v10 =	vmul.f32 v45, v12;
	v12 =	vmul.f32 v39, v12  }
0xa4: {  	v5 =	vld [tilespmem:$0x1FEF0]  }
0xa5: {  	v4 =	vadd.f32 v12, v4  }
0xa6: {  	v11 =	vld [tilespmem:$0x1FF00]  }
0xa7: {  	s0 =	sand.u32 $0xE000, s31;
	s28 =	sadd.s32 $0x200, s28;
	v17 =	vmul.f32 v56, v9;
	v19 =	vmul.f32 v50, v9;
	v4 =	vadd.f32 v2, v4;
	v2 =	vld [tilespmem:$0x1FF60]  }
0xa8: {  	v18 =	vld [tilespmem:s29+$0xFFFFFFF0];
	s0 =	sor.u32 s0, s21;
	s1 =	sand.u32 $0x380, s28;
	s10 =	sadd.s32 $0xFFFFFF80, s28  }
0xa9: {  	v20 =	vld [tilespmem:s29+$0xFFFFFF70];
	s1 =	sadd.s32 s1, s0;
	s10 =	sand.u32 $0x300, s10;
	v9 =	vadd.f32 v17, v41;
	v17 =	vadd.f32 v19, v37  }
0xaa: {  	s10 =	sadd.s32 s10, s0;
	v19 =	vld.idx.msk [tilespmem:v30+s1+$0x0 ss:$0x1], $0xffff  }
0xab: {  	[tilespmem:$0x1FDE0] =	vst v25;
	v23 =	vld.idx.msk [tilespmem:v29+s10+$0x0 ss:$0x1], $0xffff;
	v10 =	vadd.f32 v10, v17  }
0xac: {  	[tilespmem:$0x1FEC0] =	vst v1;
	v1 =	vld.idx.msk [tilespmem:v5+s1+$0x0 ss:$0x1], $0xffff;
	v2 =	vadd.f32 v2, v7  }
0xad: {  	[tilespmem:$0x1FE00] =	vst v21;
	v13 =	vld.idx.msk [tilespmem:v29+s1+$0x0 ss:$0x1], $0xffff;
	v0 =	vadd.f32 v0, v10  }
0xae: {  	v21 =	vmul.f32 v62, v20;
	[tilespmem:$0x1FCE0] =	vst v2;
	v2 =	vld [tilespmem:$0x1FF70]  }
0xaf: {  	v9 =	vadd.f32 v15, v9;
	[tilespmem:$0x1FEE0] =	vst v3;
	v3 =	vld.idx.msk [tilespmem:v11+s1+$0x0 ss:$0x1], $0xffff;
	v0 =	vadd.f32 v61, v0  }
0xb0: {  	[tilespmem:$0x1FDF0] =	vst v24;
	v24 =	vmul.f32 v56, v20;
	v25 =	vmul.f32 v50, v20;
	v16 =	vld.idx.msk [tilespmem:v5+s10+$0x0 ss:$0x1], $0xffff  }
0xb1: {  	v9 =	vadd.f32 v27, v9;
	s1 =	sadd.s32 $0xFFFFFF00, s28;
	v17 =	vld.idx.msk [tilespmem:v11+s10+$0x0 ss:$0x1], $0xffff;
	[tilespmem:$0x1FD80] =	vst v0;
	v0 =	vadd.f32 v51, v4  }
0xb2: {  	v15 =	vmul.f32 v57, v18;
	v12 =	vmul.f32 v53, v18;
	s1 =	sand.u32 $0x280, s1;
	v10 =	vld.idx.msk [tilespmem:v30+s10+$0x0 ss:$0x1], $0xffff;
	s10 =	sadd.s32 $0xFFFFFE80, s28  }
0xb3: {  	s1 =	sadd.s32 s1, s0;
	s10 =	sand.u32 $0x200, s10;
	[tilespmem:$0x1FE20] =	vst v0;
	v0 =	vadd.f32 v21, v54;
	v2 =	vadd.f32 v2, v9;
	v9 =	vmul.f32 v42, v20  }
0xb4: {  	s0 =	sadd.s32 s10, s0;
	v21 =	vmul.f32 v45, v18;
	v18 =	vmul.f32 v39, v18;
	v7 =	vld.idx.msk [tilespmem:v5+s1+$0x0 ss:$0x1], $0xffff  }
0xb5: {  	v0 =	vadd.f32 v15, v0;
	v15 =	vmul.f32 v22, v55;
	v22 =	vld.idx.msk [tilespmem:v5+s0+$0x0 ss:$0x1], $0xffff;
	v9 =	vadd.f32 v9, v31  }
0xb6: {  	v5 =	vld [tilespmem:$0x1FF80];
	v20 =	vadd.f32 v24, v36;
	v24 =	vadd.f32 v25, v35  }
0xb7: {  	v9 =	vadd.f32 v18, v9;
	v18 =	vadd.f32 v59, v0;
	v0 =	vld [tilespmem:$0x1FFE0];
	_ =	sdelay $0x1  }
0xb8: {  	v12 =	vadd.f32 v12, v20;
	v20 =	vadd.f32 v21, v24  }
0xb9: {  	v14 =	vmul.f32 v14, v55  }
0xba: {  	[tilespmem:$0x1FE10] =	vst v6;
	v8 =	vmul.f32 v8, v44;
	v15 =	vadd.f32 v15, v20;
	v5 =	vadd.f32 v5, v18  }
0xbb: {  	[tilespmem:$0x1FCD0] =	vst v2;
	v2 =	vadd.f32 v0, v12  }
0xbc: {  	v6 =	vmul.f32 v43, v44;
	v9 =	vadd.f32 v14, v9;
	[tilespmem:$0x1FC70] =	vst v5;
	v5 =	vadd.f32 v8, v15  }
0xbd: {  	v8 =	vshrl.u32 v13, $0x10;
	v2 =	vadd.f32 v63, v2  }
0xbe: {  	v8 =	vand.u32 $0x1, v8;
	[tilespmem:$0x1FD90] =	vst v5;
	v5 =	vadd.f32 v6, v9;
	v6 =	vshrl.u32 v16, $0x10  }
0xbf: {  	v9 =	vshrl.u32 v19, $0x10;
	v6 =	vand.u32 $0x1, v6;
	[tilespmem:$0x1FD70] =	vst v2;
	v2 =	vshrl.u32 v3, $0x10  }
0xc0: {  	[tilespmem:$0x1FCC0] =	vst v49;
	s29 =	sadd.s32 $0x200, s29;
	v28 =	vld.idx.msk [tilespmem:v11+s0+$0x0 ss:$0x1], $0xffff;
	v9 =	vand.u32 $0x1, v9;
	v49 =	vadd.s32 v6, v16;
	v2 =	vand.u32 $0x1, v2  }
0xc1: {  	v6 =	vadd.s32 v9, v19;
	v9 =	vld [tilespmem:s29+$0x90];
	v2 =	vadd.s32 v2, v3;
	v3 =	vadd.s32 v8, v13  }
0xc2: {  	v4 =	vld.idx.msk [tilespmem:v11+s1+$0x0 ss:$0x1], $0xffff;
	v3 =	vadd.s32 $0x7FFF, v3  }
0xc3: {  	v11 =	vshrl.u32 v1, $0x10;
	v8 =	vand.u32 $0xFFFF0000, v3;
	v3 =	vld [tilespmem:s29+$0xA0]  }
0xc4: {  	v11 =	vand.u32 $0x1, v11;
	v6 =	vadd.s32 $0x7FFF, v6  }
0xc5: {  	v1 =	vadd.s32 v11, v1;
	v43 =	vand.u32 $0xFFFF0000, v6  }
0xc6: {  	v1 =	vadd.s32 $0x7FFF, v1;
	[tilespmem:$0x1FCB0] =	vst v5;
	v5 =	vmul.f32 v43, v9  }
0xc7: {  	v27 =	vld.idx.msk [tilespmem:v30+s1+$0x0 ss:$0x1], $0xffff;
	v1 =	vand.u32 $0xFFFF0000, v1;
	v20 =	vshrl.u32 v7, $0x10  }
0xc8: {  	v11 =	vld [tilespmem:s29+$0x80];
	v20 =	vand.u32 $0x1, v20;
	v2 =	vadd.s32 $0x7FFF, v2;
	[tilespmem:$0x1FC80] =	vst v5;
	v5 =	vmul.f32 v1, v3  }
0xc9: {  	v42 =	vadd.s32 v20, v7;
	v7 =	vld [tilespmem:s29+$0xB0];
	v2 =	vand.u32 $0xFFFF0000, v2  }
0xca: {  	v12 =	vld.idx.msk [tilespmem:v29+s0+$0x0 ss:$0x1], $0xffff;
	[tilespmem:$0x1FCF0] =	vst v5;
	v5 =	vmul.f32 v2, v3;
	_ =	sdelay $0x1  }
0xcb: {  	[tilespmem:$0x1FD00] =	vst v5;
	v5 =	vmul.f32 v8, v3  }
0xcc: {  	v15 =	vshrl.u32 v23, $0x10  }
0xcd: {  	v0 =	vld.idx.msk [tilespmem:v30+s0+$0x0 ss:$0x1], $0xffff;
	v30 =	vshrl.u32 v27, $0x10;
	v15 =	vand.u32 $0x1, v15;
	[tilespmem:$0x1FD10] =	vst v5;
	v5 =	vmul.f32 v1, v7  }
0xce: {  	v50 =	vadd.s32 v15, v23;
	v15 =	vmul.f32 v1, v11;
	v31 =	vshrl.u32 v12, $0x10  }
0xcf: {  	v58 =	vand.u32 $0x1, v31;
	v31 =	vmul.f32 v43, v11;
	[tilespmem:$0x1FDA0] =	vst v5;
	v5 =	vmul.f32 v2, v7  }
0xd0: {  	v57 =	vand.u32 $0x1, v30;
	v13 =	vmul.f32 v2, v11;
	v30 =	vmul.f32 v8, v11;
	v11 =	vld [tilespmem:s29+$0xC0]  }
0xd1: {  	[tilespmem:$0x1FDB0] =	vst v5;
	v5 =	vmul.f32 v8, v7  }
0xd2: {  	[tilespmem:$0x1FD60] =	vst v26  }
0xd3: {  	v26 =	vld.idx.msk [tilespmem:v29+s1+$0x0 ss:$0x1], $0xffff;
	[tilespmem:$0x1FDC0] =	vst v5;
	v5 =	vmul.f32 v43, v7;
	_ =	sdelay $0x1  }
0xd4: {  	[tilespmem:$0x1FDD0] =	vst v5;
	v5 =	vmul.f32 v1, v11  }
0xd5: {  	[tilespmem:$0x1FD30] =	vst v34;
	v25 =	vshrl.u32 v22, $0x10;
	v3 =	vmul.f32 v43, v3  }
0xd6: {  	v55 =	vand.u32 $0x1, v25;
	v21 =	vshrl.u32 v4, $0x10;
	[tilespmem:$0x1FE70] =	vst v5;
	v5 =	vmul.f32 v2, v11  }
0xd7: {  	v24 =	vshrl.u32 v26, $0x10;
	v34 =	vadd.s32 v55, v22;
	v21 =	vand.u32 $0x1, v21;
	[tilespmem:$0x1FD20] =	vst v3;
	v3 =	vld [tilespmem:s29+$0xD0]  }
0xd8: {  	v56 =	vand.u32 $0x1, v24;
	v4 =	vadd.s32 v21, v4;
	[tilespmem:$0x1FE80] =	vst v5;
	v5 =	vmul.f32 v8, v11  }
0xd9: {  	v22 =	vld [tilespmem:s29+$0xE0];
	v26 =	vadd.s32 v56, v26;
	v56 =	vadd.s32 $0x7FFF, v34;
	v39 =	vadd.s32 $0x7FFF, v4  }
0xda: {  	v55 =	vld [tilespmem:s29+$0x0];
	v14 =	vshrl.u32 v17, $0x10;
	v18 =	vshrl.u32 v10, $0x10;
	[tilespmem:$0x1FE90] =	vst v5;
	v5 =	vmul.f32 v43, v11  }
0xdb: {  	v62 =	vand.u32 $0xFFFF0000, v56;
	v14 =	vand.u32 $0x1, v14;
	v18 =	vand.u32 $0x1, v18  }
0xdc: {  	v35 =	vld [tilespmem:s29+$0x20];
	v14 =	vadd.s32 v14, v17;
	v54 =	vshrl.u32 v0, $0x10;
	[tilespmem:$0x1FEA0] =	vst v5;
	v5 =	vmul.f32 v1, v3  }
0xdd: {  	v51 =	vadd.s32 v18, v10;
	v53 =	vadd.s32 $0x7FFF, v49;
	v59 =	vand.u32 $0x1, v54  }
0xde: {  	v60 =	vld [tilespmem:s29+$0xF0];
	v54 =	vadd.s32 $0x7FFF, v50;
	v50 =	vand.u32 $0xFFFF0000, v53;
	[tilespmem:$0x1FF30] =	vst v5;
	v5 =	vmul.f32 v2, v3  }
0xdf: {  	v29 =	vshrl.u32 v28, $0x10;
	v10 =	vmul.f32 v43, v22;
	v44 =	vmul.f32 v50, v55  }
0xe0: {  	v14 =	vadd.s32 $0x7FFF, v14;
	v6 =	vmul.f32 v43, v3;
	[tilespmem:$0x1FF40] =	vst v5;
	v5 =	vmul.f32 v8, v3;
	v3 =	vld [tilespmem:s29+$0x10]  }
0xe1: {  	v29 =	vand.u32 $0x1, v29;
	v41 =	vmul.f32 v50, v35;
	v18 =	vmul.f32 v1, v9  }
0xe2: {  	v28 =	vadd.s32 v29, v28;
	v16 =	vmul.f32 v2, v9;
	[tilespmem:$0x1FF50] =	vst v5;
	v5 =	vmul.f32 v1, v22  }
0xe3: {  	v63 =	vadd.s32 $0x7FFF, v51;
	v19 =	vmul.f32 v8, v9;
	v1 =	vmul.f32 v1, v60  }
0xe4: {  	v45 =	vld [tilespmem:s29+$0x50];
	v29 =	vadd.s32 v58, v12;
	v9 =	vmul.f32 v8, v22;
	[tilespmem:$0x1FF60] =	vst v5;
	v5 =	vmul.f32 v2, v22  }
0xe5: {  	v7 =	vmul.f32 v2, v60;
	v22 =	vand.u32 $0xFFFF0000, v54;
	[tilespmem:$0x1FF80] =	vst v1;
	v49 =	vmul.f32 v50, v3  }
0xe6: {  	v12 =	vmovc v33;
	v1 =	vld [tilespmem:s29+$0x30];
	v33 =	vmul.f32 v22, v3;
	[tilespmem:$0x1FF70] =	vst v5;
	v5 =	vand.u32 $0xFFFF0000, v14;
	v14 =	vand.u32 $0xFFFF0000, v63  }
0xe7: {  	v27 =	vadd.s32 v57, v27;
	v51 =	vmul.f32 v5, v3;
	v54 =	vmul.f32 v14, v3;
	v3 =	vld [tilespmem:s29+$0x40]  }
0xe8: {  	[tilespmem:$0x1FCA0] =	vst v38;
	v0 =	vadd.s32 v59, v0;
	v58 =	vmul.f32 v22, v55;
	v38 =	vmul.f32 v22, v35  }
0xe9: {  	v61 =	vmovc v46;
	v59 =	vadd.s32 $0x7FFF, v28;
	v28 =	vmul.f32 v22, v45;
	v46 =	vmul.f32 v5, v55  }
0xea: {  	[tilespmem:$0x1FD40] =	vst v32;
	v53 =	vand.u32 $0xFFFF0000, v39;
	v32 =	vmul.f32 v14, v55;
	v17 =	vmul.f32 v5, v35  }
0xeb: {  	[tilespmem:$0x1FC90] =	vst v40;
	v20 =	vadd.s32 $0x7FFF, v0;
	v40 =	vmul.f32 v14, v35;
	v36 =	vmul.f32 v50, v1  }
0xec: {  	v23 =	vld [tilespmem:s29+$0xFFFFFF00];
	v11 =	vadd.s32 $0x7FFF, v27;
	v37 =	vmul.f32 v5, v1;
	v4 =	vmul.f32 v50, v3  }
0xed: {  	v39 =	vand.u32 $0xFFFF0000, v11;
	v11 =	vld [tilespmem:$0x1FF90];
	v34 =	vmul.f32 v22, v1;
	v0 =	vmul.f32 v22, v3  }
0xee: {  	v2 =	vadd.s32 $0x7FFF, v42;
	v63 =	vld [tilespmem:s29+$0x60];
	v35 =	vmul.f32 v14, v1;
	[tilespmem:$0x1FE30] =	vst v4;
	v4 =	vmul.f32 v5, v3  }
0xef: {  	v1 =	vadd.s32 $0x7FFF, v29;
	v29 =	vmul.f32 v14, v45;
	[tilespmem:$0x1FE50] =	vst v0;
	v0 =	vmul.f32 v14, v3  }
0xf0: {  	v42 =	vadd.s32 $0x7FFF, v26;
	v55 =	vld [tilespmem:s29+$0x70];
	v3 =	vmul.f32 v5, v45;
	[tilespmem:$0x1FE40] =	vst v4;
	v4 =	vmul.f32 v50, v45  }
0xf1: {  	v45 =	vand.u32 $0xFFFF0000, v42;
	v42 =	vand.u32 $0xFFFF0000, v20;
	v20 =	vmul.f32 v62, v23  }
0xf2: {  	v21 =	vld [tilespmem:s29+$0xFFFFFF80]  }
0xf3: {  	v57 =	vand.u32 $0xFFFF0000, v2;
	v2 =	vmul.f32 v50, v63;
	v11 =	vadd.f32 v20, v11;
	v20 =	vld [tilespmem:$0x1FFA0]  }
0xf4: {  	v56 =	vand.u32 $0xFFFF0000, v59;
	v27 =	vmul.f32 v5, v63;
	v24 =	vmul.f32 v14, v63  }
0xf5: {  	v59 =	vmul.f32 v50, v55;
	v5 =	vmul.f32 v5, v55;
	v50 =	vand.u32 $0xFFFF0000, v1  }
0xf6: {  	[tilespmem:$0x1FFD0] =	vst v24;
	v24 =	vmul.f32 v56, v23;
	v25 =	vmul.f32 v50, v23  }
0xf7: {  	[tilespmem:$0x1FFE0] =	vst v5;
	v5 =	vmul.f32 v53, v21  }
0xf8: {  	v25 =	vadd.f32 v25, v48;
	v20 =	vadd.f32 v24, v20;
	v24 =	vmul.f32 v45, v21;
	_ =	sdelay $0x1  }
0xf9: {  	v26 =	vld [tilespmem:s29+$0xFFFFFF10];
	v5 =	vadd.f32 v5, v20;
	v20 =	vadd.f32 v24, v25;
	_ =	sdelay $0x1  }
0xfa: {  	v23 =	vmul.f32 v42, v23;
	v20 =	vadd.f32 v58, v20;
	v58 =	vmov v6;
	v6 =	vld [tilespmem:$0x1FFB0];
	_ =	sdelay $0x1  }
0xfb: {  	v1 =	vmul.f32 v57, v21;
	v23 =	vadd.f32 v23, v47;
	v21 =	vmul.f32 v39, v21  }
0xfc: {  	[tilespmem:$0x1FE60] =	vst v0;
	v0 =	vmul.f32 v22, v63;
	v63 =	vld [tilespmem:s29+$0xFFFFFF90];
	v24 =	vmul.f32 v62, v26  }
0xfd: {  	v21 =	vadd.f32 v21, v23  }
0xfe: {  	v48 =	vadd.f32 v30, v20;
	v20 =	vadd.f32 v24, v6;
	v6 =	vld [tilespmem:$0x1FFC0];
	_ =	sdelay $0x1  }
0xff: {  	v1 =	vadd.f32 v1, v11;
	v21 =	vadd.f32 v32, v21  }
0x100: {  	v11 =	vmul.f32 v57, v63;
	v25 =	vmul.f32 v56, v26  }
0x101: {  	v1 =	vadd.f32 v44, v1;
	v47 =	vadd.f32 v31, v21  }
0x102: {  	v23 =	vmul.f32 v53, v63;
	v11 =	vadd.f32 v11, v20;
	v21 =	vadd.f32 v25, v6  }
0x103: {  	v1 =	vadd.f32 v15, v1;
	v5 =	vadd.f32 v46, v5  }
0x104: {  	v11 =	vadd.f32 v49, v11;
	v20 =	vadd.f32 v23, v21  }
0x105: {  	[tilespmem:$0x1FF90] =	vst v1;
	v1 =	vadd.f32 v13, v5  }
0x106: {  	v6 =	vadd.f32 v18, v11;
	v20 =	vadd.f32 v51, v20  }
0x107: {  	[tilespmem:$0x1FFA0] =	vst v1;
	v1 =	vmul.f32 v42, v26  }
0x108: {  	[tilespmem:$0x1FFB0] =	vst v6;
	v6 =	vadd.f32 v16, v20  }
0x109: {  	v32 =	vmul.f32 v50, v26;
	v26 =	vmul.f32 v39, v63;
	v1 =	vadd.f32 v1, v61  }
0x10a: {  	[tilespmem:$0x1FFC0] =	vst v6;
	v6 =	vld [tilespmem:$0x1FC80]  }
0x10b: {  	v1 =	vadd.f32 v26, v1;
	_ =	sdelay $0x1  }
0x10c: {  	v5 =	vld [tilespmem:s29+$0xFFFFFF20];
	v1 =	vadd.f32 v54, v1;
	_ =	sdelay $0x1  }
0x10d: {  	v46 =	vadd.f32 v6, v1;
	v6 =	vld [tilespmem:$0x1FCA0];
	_ =	sdelay $0x2  }
0x10e: {  	v44 =	vld [tilespmem:s29+$0xFFFFFFA0];
	v26 =	vmul.f32 v56, v5  }
0x10f: {  	v1 =	vld [tilespmem:$0x1FC90]  }
0x110: {  	v24 =	vmul.f32 v45, v63;
	v25 =	vadd.f32 v32, v52;
	v11 =	vadd.f32 v26, v6;
	v6 =	vld [tilespmem:$0x1FCC0];
	_ =	sdelay $0x1  }
0x111: {  	v23 =	vadd.f32 v24, v25;
	v25 =	vmul.f32 v62, v5  }
0x112: {  	v31 =	vmul.f32 v50, v5;
	v5 =	vmul.f32 v42, v5  }
0x113: {  	v21 =	vmul.f32 v57, v44;
	v1 =	vadd.f32 v25, v1  }
0x114: {  	v5 =	vadd.f32 v5, v6;
	v6 =	vld [tilespmem:$0x1FCF0]  }
0x115: {  	v16 =	vmul.f32 v39, v44;
	v1 =	vadd.f32 v21, v1;
	_ =	sdelay $0x1  }
0x116: {  	v1 =	vadd.f32 v41, v1;
	v5 =	vadd.f32 v16, v5  }
0x117: {  	v13 =	vmul.f32 v45, v44;
	v15 =	vadd.f32 v31, v12  }
0x118: {  	v5 =	vadd.f32 v40, v5;
	v40 =	vadd.f32 v6, v1;
	v6 =	vld [tilespmem:$0x1FD10]  }
0x119: {  	v13 =	vadd.f32 v13, v15;
	_ =	sdelay $0x1  }
0x11a: {  	v13 =	vadd.f32 v38, v13;
	_ =	sdelay $0x1  }
0x11b: {  	v23 =	vadd.f32 v33, v23;
	v33 =	vadd.f32 v6, v13;
	v6 =	vld [tilespmem:$0x1FD20];
	_ =	sdelay $0x2  }
0x11c: {  	v51 =	vmov v10;
	v10 =	vld [tilespmem:s29+$0xFFFFFF30]  }
0x11d: {  	v24 =	vmul.f32 v53, v44;
	v1 =	vld [tilespmem:$0x1FD00]  }
0x11e: {  	v49 =	vadd.f32 v6, v5;
	v6 =	vld [tilespmem:$0x1FD40]  }
0x11f: {  	v11 =	vadd.f32 v24, v11;
	_ =	sdelay $0x1  }
0x120: {  	v21 =	vmul.f32 v56, v10;
	v11 =	vadd.f32 v17, v11  }
0x121: {  	v5 =	vld [tilespmem:$0x1FD30]  }
0x122: {  	v38 =	vadd.f32 v1, v11;
	v11 =	vadd.f32 v21, v6;
	v6 =	vld [tilespmem:$0x1FD50];
	_ =	sdelay $0x2  }
0x123: {  	v24 =	vmul.f32 v50, v10;
	v16 =	vmul.f32 v62, v10  }
0x124: {  	v30 =	vld [tilespmem:s29+$0xFFFFFFB0]  }
0x125: {  	v5 =	vadd.f32 v16, v5;
	v16 =	vadd.f32 v24, v6;
	v6 =	vld [tilespmem:$0x1FD60];
	_ =	sdelay $0x2  }
0x126: {  	v1 =	vmul.f32 v42, v10  }
0x127: {  	v20 =	vmul.f32 v57, v30  }
0x128: {  	v1 =	vadd.f32 v1, v6;
	v6 =	vld [tilespmem:$0x1FDA0]  }
0x129: {  	v13 =	vmul.f32 v45, v30;
	v5 =	vadd.f32 v20, v5;
	_ =	sdelay $0x1  }
0x12a: {  	v5 =	vadd.f32 v36, v5;
	v13 =	vadd.f32 v13, v16;
	_ =	sdelay $0x1  }
0x12b: {  	v13 =	vadd.f32 v34, v13;
	v34 =	vadd.f32 v6, v5;
	v6 =	vld [tilespmem:$0x1FDC0];
	_ =	sdelay $0x3  }
0x12c: {  	v17 =	vmul.f32 v39, v30  }
0x12d: {  	v15 =	vmul.f32 v53, v30;
	v30 =	vadd.f32 v6, v13;
	v6 =	vld [tilespmem:$0x1FDD0]  }
0x12e: {  	v1 =	vadd.f32 v17, v1;
	_ =	sdelay $0x1  }
0x12f: {  	v10 =	vld [tilespmem:s29+$0xFFFFFF40];
	v1 =	vadd.f32 v35, v1  }
0x130: {  	v5 =	vld [tilespmem:$0x1FDB0]  }
0x131: {  	v26 =	vadd.f32 v6, v1;
	v6 =	vld [tilespmem:$0x1FDF0]  }
0x132: {  	v11 =	vadd.f32 v15, v11;
	_ =	sdelay $0x1  }
0x133: {  	v18 =	vmul.f32 v56, v10;
	v11 =	vadd.f32 v37, v11;
	_ =	sdelay $0x1  }
0x134: {  	v32 =	vadd.f32 v5, v11;
	v11 =	vadd.f32 v18, v6;
	v6 =	vld [tilespmem:$0x1FE00];
	_ =	sdelay $0x2  }
0x135: {  	v20 =	vmul.f32 v50, v10  }
0x136: {  	v52 =	vadd.f32 v19, v23;
	v23 =	vld [tilespmem:s29+$0xFFFFFFC0]  }
0x137: {  	v13 =	vadd.f32 v20, v6;
	v6 =	vld [tilespmem:$0x1FE10]  }
0x138: {  	v1 =	vld [tilespmem:$0x1FDE0];
	_ =	sdelay $0x1  }
0x139: {  	v5 =	vmul.f32 v42, v10  }
0x13a: {  	v17 =	vmul.f32 v62, v10  }
0x13b: {  	v5 =	vadd.f32 v5, v6;
	v6 =	vld [tilespmem:$0x1FE30]  }
0x13c: {  	v15 =	vmul.f32 v57, v23;
	v1 =	vadd.f32 v17, v1;
	_ =	sdelay $0x1  }
0x13d: {  	v1 =	vadd.f32 v15, v1;
	_ =	sdelay $0x1  }
0x13e: {  	v1 =	vadd.f32 v6, v1;
	v6 =	vld [tilespmem:$0x1FE40]  }
0x13f: {  	v16 =	vmul.f32 v53, v23;
	_ =	sdelay $0x1  }
0x140: {  	v11 =	vadd.f32 v16, v11;
	_ =	sdelay $0x1  }
0x141: {  	v11 =	vadd.f32 v6, v11;
	v6 =	vld [tilespmem:$0x1FE50]  }
0x142: {  	v12 =	vmul.f32 v45, v23;
	_ =	sdelay $0x1  }
0x143: {  	v13 =	vadd.f32 v12, v13;
	_ =	sdelay $0x1  }
0x144: {  	v63 =	vmov v7;
	v7 =	vadd.f32 v6, v13;
	v6 =	vld [tilespmem:$0x1FE60]  }
0x145: {  	v17 =	vmul.f32 v39, v23;
	_ =	sdelay $0x1  }
0x146: {  	v5 =	vadd.f32 v17, v5;
	_ =	sdelay $0x1  }
0x147: {  	v5 =	vadd.f32 v6, v5;
	v6 =	vld [tilespmem:$0x1FE70];
	_ =	sdelay $0x4  }
0x148: {  	v25 =	vadd.f32 v6, v1;
	v6 =	vld [tilespmem:$0x1FE90]  }
0x149: {  	v1 =	vld [tilespmem:$0x1FE80]  }
0x14a: {  	v61 =	vmov v9;
	v9 =	vld [tilespmem:s29+$0xFFFFFF60]  }
0x14b: {  	v31 =	vld [tilespmem:$0x1FCB0]  }
0x14c: {  	v10 =	vld [tilespmem:s29+$0xFFFFFF50]  }
0x14d: {  	v21 =	vadd.f32 v6, v7;
	v6 =	vld [tilespmem:$0x1FEA0]  }
0x14e: {  	v24 =	vadd.f32 v1, v11;
	v11 =	vld [tilespmem:$0x1FED0]  }
0x14f: {  	v54 =	vld [tilespmem:$0x1FC70]  }
0x150: {  	v19 =	vld [tilespmem:s29+$0xFFFFFFD0]  }
0x151: {  	v13 =	vmul.f32 v50, v10;
	v7 =	vld [tilespmem:$0x1FEC0]  }
0x152: {  	v6 =	vadd.f32 v6, v5;
	v5 =	vld [tilespmem:$0x1FEB0]  }
0x153: {  	v11 =	vadd.f32 v13, v11;
	v13 =	vld [tilespmem:$0x1FEE0]  }
0x154: {  	s30 =	sadd.s32 $0x4, s30;
	v12 =	vld [tilespmem:s29+$0xFFFFFFE0]  }
0x155: {  	p0 =	slt.u32 s30, $0x3C;
	v44 =	vmov v60;
	v60 =	vld [tilespmem:$0x1FCE0];
	v18 =	vmul.f32 v56, v10;
	v15 =	vmul.f32 v57, v19  }
.Ltmp0:
0x156: {  	v41 =	vld [tilespmem:$0x1FCD0];
	v17 =	vmul.f32 v62, v10;
	v1 =	vmul.f32 v42, v10;
	(pc) =	sbr.rel @p0 .LBB2_3-.Ltmp0, $4  }
0x157: {  	v36 =	vld [tilespmem:$0x1FD70];
	v16 =	vmul.f32 v53, v19;
	v10 =	vmul.f32 v45, v19;
	v7 =	vadd.f32 v18, v7  }
0x158: {  	v37 =	vld [tilespmem:$0x1FD80];
	v18 =	vmul.f32 v39, v19;
	v5 =	vadd.f32 v17, v5;
	v1 =	vadd.f32 v1, v13  }
0x159: {  	v35 =	vld [tilespmem:$0x1FD90];
	v17 =	vadd.f32 v16, v7;
	v16 =	vmul.f32 v57, v12;
	v13 =	vadd.f32 v10, v11  }
0x15a: {  	s31 =	sadd.s32 $0x1000, s31;
	v23 =	vld [tilespmem:$0x1FE20];
	v19 =	vadd.f32 v15, v5;
	v7 =	vadd.f32 v18, v1;
	v15 =	vmul.f32 v53, v12  }
0x15b: {  	v1 =	vld [tilespmem:s29+$0xFFFFFF70]  }
0x15c: {  	v11 =	vld [tilespmem:$0x1FF90]  }
0x15d: {  	v18 =	vld [tilespmem:$0x1FFB0];
	_ =	sdelay $0x1  }
0x15e: {  	v5 =	vmul.f32 v62, v9;
	v10 =	vld [tilespmem:s29+$0xFFFFFFF0]  }
0x15f: {  	v3 =	vadd.f32 v3, v17;
	v13 =	vadd.f32 v28, v13;
	v17 =	vimm.s32 $0x4  }
0x160: {  	vm9 =	vgt.f32 v52, v48;
	v28 =	vmul.f32 v22, v55;
	v5 =	vadd.f32 v5, v60  }
0x161: {  	v4 =	vadd.f32 v4, v19;
	v19 =	vld [tilespmem:$0x1FF60];
	vm1 =	vgt.f32 v18, v11;
	v62 =	vmul.f32 v62, v1  }
0x162: {  	v8 =	vmul.f32 v8, v44;
	v5 =	vadd.f32 v16, v5;
	v11 =	vsel vm1, v18, v11  }
0x163: {  	v60 =	vmul.f32 v57, v10;
	vm2 =	vgt.f32 v40, v11;
	v54 =	vadd.f32 v62, v54;
	v62 =	vld [tilespmem:$0x1FF30]  }
0x164: {  	v7 =	vadd.f32 v29, v7;
	v5 =	vadd.f32 v2, v5;
	v11 =	vsel vm2, v40, v11  }
0x165: {  	v20 =	vld [tilespmem:$0x1FF80];
	v18 =	vimm.s32 $0x0;
	vm3 =	vgt.f32 v34, v11;
	v16 =	vadd.f32 v60, v54  }
0x166: {  	v5 =	vadd.f32 v19, v5;
	v40 =	vmul.f32 v50, v9;
	v54 =	vld [tilespmem:$0x1FF40];
	v11 =	vsel vm3, v34, v11  }
0x167: {  	v60 =	vld [tilespmem:$0x1FFC0];
	v34 =	vmul.f32 v56, v9;
	vm4 =	vgt.f32 v25, v11;
	v16 =	vadd.f32 v59, v16  }
0x168: {  	v59 =	vld [tilespmem:$0x1FFA0];
	v4 =	vadd.f32 v62, v4;
	v11 =	vsel vm4, v25, v11;
	v62 =	vmul.f32 v56, v1  }
0x169: {  	v57 =	vadd.f32 v34, v41;
	v34 =	vmul.f32 v53, v10;
	v41 =	vmul.f32 v50, v1  }
0x16a: {  	v25 =	vadd.f32 v20, v16;
	v20 =	vsel vm1, $0x1, v18;
	vm5 =	vgt.f32 v4, v11  }
0x16b: {  	v3 =	vadd.f32 v54, v3;
	v53 =	vadd.f32 v41, v35;
	v4 =	vsel vm5, v4, v11  }
0x16c: {  	v54 =	vmul.f32 v45, v10;
	v11 =	vadd.f32 v62, v36;
	vm6 =	vgt.f32 v5, v4  }
0x16d: {  	v19 =	vld [tilespmem:$0x1FFF0];
	v62 =	vsel vm9, v52, v48;
	vm0 =	vgt.f32 v60, v59;
	v4 =	vsel vm6, v5, v4  }
0x16e: {  	v36 =	vld [tilespmem:$0x1FF70];
	v5 =	vadd.f32 v40, v37;
	vm7 =	vgt.f32 v25, v4;
	v25 =	vsel vm2, $0x2, v20  }
0x16f: {  	v16 =	vsel vm0, v60, v59;
	v37 =	vld [tilespmem:$0x1FFE0];
	v4 =	vadd.f32 v15, v57;
	v15 =	vsel vm3, $0x3, v25  }
0x170: {  	v11 =	vadd.f32 v34, v11;
	v40 =	vld [tilespmem:s25+$0x10000];
	vm1 =	vgt.f32 v38, v16;
	v15 =	vsel vm4, $0x4, v15  }
0x171: {  	v16 =	vsel vm1, v38, v16;
	v38 =	vmul.f32 v45, v12;
	v15 =	vsel vm5, $0x5, v15  }
0x172: {  	vm2 =	vgt.f32 v32, v16;
	v4 =	vadd.f32 v27, v4;
	v15 =	vsel vm6, $0x6, v15  }
0x173: {  	v16 =	vsel vm2, v32, v16;
	v5 =	vadd.f32 v38, v5;
	v15 =	vsel vm7, $0x7, v15  }
0x174: {  	s0 =	sadd.s32 s26, s21;
	vm12 =	vgt.f32 v24, v16;
	v4 =	vadd.f32 v36, v4;
	v2 =	vadd.f32 v37, v11;
	[tilespmem:s25+$0x12480] =	vst v15  }
0x175: {  	vm8 =	vlt.s32 v40, v19;
	v16 =	vsel vm12, v24, v16;
	v0 =	vadd.f32 v0, v5;
	v50 =	vld [tilespmem:s0+$0x0]  }
0x176: {  	v59 =	vsel vm8, $0x0, v17;
	vm13 =	vgt.f32 v3, v16;
	v2 =	vadd.f32 v63, v2;
	v57 =	vld [tilespmem:s0+$0x80]  }
0x177: {  	v63 =	vsel vm0, $0x1, v18;
	vm0 =	vgt.f32 v33, v62;
	v3 =	vsel vm13, v3, v16  }
0x178: {  	v20 =	vsel vm1, $0x2, v63;
	v25 =	vsel vm0, v33, v62;
	vm14 =	vgt.f32 v4, v3  }
0x179: {  	v56 =	vld [tilespmem:$0x1FF50];
	v24 =	vsel vm2, $0x3, v20;
	vm1 =	vgt.f32 v30, v25;
	v3 =	vsel vm14, v4, v3  }
0x17a: {  	v4 =	vadd.f32 v54, v53;
	vm15 =	vgt.f32 v2, v3;
	vm8 =	vgt.f32 v50, $0.0e+00  }
0x17b: {  	v3 =	vsel vm12, $0x4, v24;
	vm10 =	vgt.f32 v57, $0.0e+00;
	v60 =	vsel vm8, $0x2, v18  }
0x17c: {  	v3 =	vsel vm13, $0x5, v3;
	v27 =	vsel vm10, $0x1, v18;
	v5 =	vor.u32 v59, v60  }
0x17d: {  	s10 =	sand.u32 $0x380, s25;
	v11 =	vsel vm1, v30, v25;
	v3 =	vsel vm14, $0x6, v3;
	v5 =	vor.u32 v27, v5  }
0x17e: {  	v2 =	vadd.f32 v56, v13;
	vm11 =	vgt.f32 v21, v11;
	v3 =	vsel vm15, $0x7, v3;
	[tilespmem:s25+$0x12880] =	vst v5;
	s25 =	sor.u32 s10, s24  }
0x17f: {  	s1 =	sadd.s32 s24, s21;
	v1 =	vmul.f32 v42, v1;
	v35 =	vmul.f32 v42, v9;
	v30 =	vsel vm11, v21, v11;
	[tilespmem:s25+$0x12480] =	vst v3;
	v32 =	vld [tilespmem:s25+$0x10000]  }
0x180: {  	v0 =	vadd.f32 v61, v0;
	v4 =	vadd.f32 v28, v4;
	vm12 =	vgt.f32 v2, v30;
	v33 =	vld [tilespmem:s1+$0x0]  }
0x181: {  	v1 =	vadd.f32 v1, v31;
	v41 =	vmul.f32 v39, v10;
	v2 =	vsel vm12, v2, v30;
	v34 =	vld [tilespmem:s1+$0x80]  }
0x182: {  	v36 =	vsel vm9, $0x1, v18;
	v4 =	vadd.f32 v8, v4;
	vm13 =	vgt.f32 v0, v2  }
0x183: {  	v40 =	vmul.f32 v39, v12;
	v0 =	vsel vm13, v0, v2;
	v2 =	vsel vm0, $0x2, v36  }
0x184: {  	vm14 =	vgt.f32 v4, v0;
	v2 =	vsel vm1, $0x3, v2;
	v0 =	vadd.f32 v35, v23  }
0x185: {  	v2 =	vsel vm11, $0x4, v2;
	vm15 =	vlt.s32 v32, v19;
	vm9 =	vgt.f32 v33, $0.0e+00  }
0x186: {  	v3 =	vsel vm15, $0x0, v17;
	vm10 =	vgt.f32 v34, $0.0e+00;
	v37 =	vsel vm9, $0x2, v18  }
0x187: {  	v48 =	vld [tilespmem:$0x1FFD0];
	v2 =	vsel vm12, $0x5, v2;
	v38 =	vsel vm10, $0x1, v18;
	v3 =	vor.u32 v3, v37  }
0x188: {  	vm11 =	vgt.f32 v46, v47;
	v2 =	vsel vm13, $0x6, v2;
	v3 =	vor.u32 v38, v3  }
0x189: {  	s28 =	sor.u32 s10, s23;
	v1 =	vadd.f32 v41, v1;
	v45 =	vsel vm11, v46, v47;
	v2 =	vsel vm14, $0x7, v2;
	[tilespmem:s25+$0x12880] =	vst v3  }
0x18a: {  	s29 =	sadd.s32 s23, s21;
	v0 =	vadd.f32 v40, v0;
	v46 =	vmul.f32 v14, v55;
	vm12 =	vgt.f32 v49, v45;
	v42 =	vld [tilespmem:s28+$0x10000];
	[tilespmem:s28+$0x12480] =	vst v2  }
0x18b: {  	v50 =	vmul.f32 v43, v44;
	v54 =	vsel vm11, $0x1, v18;
	v2 =	vsel vm12, v49, v45;
	v47 =	vld [tilespmem:s29+$0x0]  }
0x18c: {  	v0 =	vadd.f32 v48, v0;
	v1 =	vadd.f32 v46, v1;
	vm13 =	vgt.f32 v26, v2;
	v52 =	vld [tilespmem:s29+$0x80]  }
0x18d: {  	v7 =	vadd.f32 v58, v7;
	v4 =	vsel vm12, $0x2, v54;
	v2 =	vsel vm13, v26, v2  }
0x18e: {  	v0 =	vadd.f32 v51, v0;
	v1 =	vadd.f32 v50, v1;
	vm15 =	vgt.f32 v6, v2  }
0x18f: {  	v4 =	vsel vm13, $0x3, v4;
	v2 =	vsel vm15, v6, v2;
	vm14 =	vlt.s32 v42, v19  }
0x190: {  	v4 =	vsel vm15, $0x4, v4;
	vm9 =	vgt.f32 v7, v2;
	v53 =	vsel vm14, $0x0, v17  }
0x191: {  	vm8 =	vgt.f32 v47, $0.0e+00;
	v2 =	vsel vm9, v7, v2;
	vm10 =	vgt.f32 v52, $0.0e+00  }
0x192: {  	v4 =	vsel vm9, $0x5, v4;
	v55 =	vsel vm8, $0x2, v18;
	vm11 =	vgt.f32 v0, v2  }
0x193: {  	v56 =	vsel vm10, $0x1, v18;
	v3 =	vor.u32 v53, v55;
	v0 =	vsel vm11, v0, v2  }
0x194: {  	v58 =	vsel vm11, $0x6, v4;
	vm12 =	vgt.f32 v1, v0;
	v57 =	vor.u32 v56, v3  }
0x195: {  	s30 =	sor.u32 s10, s22;
	[tilespmem:s28+$0x12880] =	vst v57;
	v59 =	vsel vm12, $0x7, v58  }
0x196: {  	s31 =	sadd.s32 s22, s21;
	[tilespmem:s30+$0x12480] =	vst v59;
	v60 =	vld [tilespmem:s30+$0x10000]  }
0x197: {  	v61 =	vld [tilespmem:s31+$0x0]  }
0x198: {  	v62 =	vld [tilespmem:s31+$0x80];
	_ =	sdelay $0x1  }
0x199: {  	s20 =	sadd.s32 $0x1, s20  }
0x19a: {  	p0 =	sne.s32 s20, $0x10  }
.Ltmp1:
0x19b: {  	vm13 =	vlt.s32 v60, v19;
	vm14 =	vgt.f32 v61, $0.0e+00;
	(pc) =	sbr.rel @p0 .LBB2_2-.Ltmp1, $4  }
0x19c: {  	v0 =	vsel vm13, $0x0, v17;
	vm15 =	vgt.f32 v62, $0.0e+00;
	v1 =	vsel vm14, $0x2, v18  }
0x19d: {  	v63 =	vsel vm15, $0x1, v18;
	v0 =	vor.u32 v0, v1  }
0x19e: {  	v0 =	vor.u32 v63, v0  }
0x19f: {  	[tilespmem:s30+$0x12880] =	vst v0  }
0x1a0: {  	[hbm4b:s7+s13] =	stream.strided.scatter [tilespmem:s17], [sflag:$0x1], $0x400, s14, s13, $0x38;
	[tilespmem:$0x12C80] =	vst v63  }
0x1a1: {  	s19 =	sadd.s32 $0x1, s19;
	_ =	swait.ge [sflag:s12], $0x400  }
0x1a2: {  	p0 =	sne.s32 s19, s9;
	[sflag:s12] =	ssyncset.done $0x0  }
.Ltmp2:
0x1a3: {  	[sflag:s12] =	ssyncadd.s32 $0xFFFFFC00;
	(pc) =	sbr.rel @p0 .LBB2_1-.Ltmp2, $4  }
0x1a4: {  	[hbm4b:s8+s13] =	stream.strided.scatter [tilespmem:s18], [sflag:$0x1], $0x400, s14, s13, $0x38;
	[tilespmem:$0x12C80] =	vst v63  }
0x1a5: {  	_ =	swait.ge [sflag:s12], $0x400  }
0x1a6: {  	[sflag:s12] =	ssyncset.done $0x0  }
0x1a7: {  	[sflag:s12] =	ssyncadd.s32 $0xFFFFFC00  }
0x1a8: {  	_ =	sfence.sel $0x180000  }
0x1a9: {  	[bflag:$0x0] =	sbarrier.arrive $0xFFFF  }
0x1aa: {  	_ =	strace $0x90000047  }
0x1ab: {  	s0 =	stileid.u32;
	[bflag:$0x2] =	sbarrier.arrive $0xFFFF  }
0x1ac: {  	p0 =	sne.s32 s0, $0x0;
	s0 =	rddreg [dreg:$0x5]  }
0x1ad: {  	s0 =	sadd.s32 @!p0 $0x100000, s0  }
0x1ae: {  	[sflag:s0] =	ssyncadd.tile.s32 @!p0 $0x1;
	_ =	shalt  }
.Lfunc_end2:
_tile_overlayer_lowered:
.L_overlay_start_2:
0x1af: {  	(tag) =	ssettag $0x2  }
0x1b0: {  	s0 =	rddreg [dreg:$0x0];
	s2 =	stileid.u32  }
0x1b1: {  	s1 =	rddreg [dreg:$0x1];
	p0 =	sne.s32 s2, $0x0  }
0x1b2: {  	s3 =	rddreg [dreg:$0x2];
	[bflag:$0x3] =	sbarrier.arrive $0xFFFF;
	s2 =	simm.s32 @!p0 $0x1C01  }
0x1b3: {  	[timem:s3], [sflag:s2] =	dma.local @!p0 [hbm:s0], s1  }
0x1b4: {  	s0 =	simm.s32 @!p0 $0x1  }
0x1b5: {  	_ =	swait.ge @!p0 [sflag:s0], s1  }
0x1b6: {  	s1 =	ssub.s32 @!p0 $0x0, s1;
	[sflag:s0] =	ssyncset.done @!p0 $0x0  }
0x1b7: {  	[sflag:s0] =	ssyncadd.s32 @!p0 s1  }
0x1b8: {  	[bflag:$0x3] =	sbarrier.arrive $0xFFFF  }
0x1b9: {  	_ =	shalt  }

</sc_bundles>
